<compile_context>
chip_gen: v7x
topology: tpu7x:2x2x1
jax: 0.10.2.dev20260603
libtpu: 0.0.44.dev20260713+nightly
codegen_flags: <defaults>
</compile_context>

<pallas_src>
import functools

import jax
import jax.numpy as jnp
from jax import lax
from jax.experimental import pallas as pl
from jax.experimental.pallas import tpu as pltpu
from jax.experimental.pallas import tpu_sc as plsc

N_USER = 10000
N_ITEM = 10000
E = 160000
D = 128

NS = 16
EPT = E // NS
CHUNK = 80
NCH = EPT // CHUNK
RPT = 624
TAIL = N_ITEM - NS * RPT
ZC = 48


def _make_sc_segsum(with_counts):
  outs = [jax.ShapeDtypeStruct((2, N_ITEM, D), jnp.float32)]
  if with_counts:
    outs += [jax.ShapeDtypeStruct((2, N_ITEM, D), jnp.float32)]

  scratch = [pltpu.VMEM((EPT,), jnp.int32),
             pltpu.VMEM((NCH, CHUNK), jnp.int32),
             pltpu.VMEM((CHUNK, D), jnp.float32),
             pltpu.VMEM((CHUNK, D), jnp.float32),
             pltpu.VMEM_SHARED((N_ITEM, D), jnp.float32),
             pltpu.SemaphoreType.DMA,
             pltpu.SemaphoreType.DMA,
             pltpu.SemaphoreType.DMA,
             pltpu.SemaphoreType.DMA]

  mesh = plsc.VectorSubcoreMesh(core_axis_name="c", subcore_axis_name="s")

  def body(tab, srccat, dst4, z128, o128, *rest):
    if with_counts:
      (s_out, c_out, idx2s, idx2d, rA, rB, acc, sGA, sGB, sSA, sSB) = rest
    else:
      (s_out, idx2s, idx2d, rA, rB, acc, sGA, sGB, sSA, sSB) = rest
    cid = lax.axis_index("c")
    sid = lax.axis_index("s")
    row0 = sid * RPT

    def drain(buf, sem):
      pltpu.make_async_copy(z128.at[pl.ds(0, CHUNK)], buf, sem).wait()

    def zero_my_rows():
      pltpu.sync_copy(z128.at[pl.ds(row0, RPT)], acc.at[pl.ds(row0, RPT)])

      @pl.when(sid == NS - 1)
      def _():
        pltpu.sync_copy(z128.at[pl.ds(NS * RPT, TAIL)],
                        acc.at[pl.ds(NS * RPT, TAIL)])

    def copy_out_my_rows(out):
      pltpu.sync_copy(acc.at[pl.ds(row0, RPT)], out.at[cid, pl.ds(row0, RPT)])

      @pl.when(sid == NS - 1)
      def _():
        t0 = NS * RPT
        pltpu.sync_copy(acc.at[pl.ds(t0, TAIL)], out.at[cid, pl.ds(t0, TAIL)])

    pltpu.sync_copy(srccat.at[pl.ds(cid * E + sid * EPT, EPT)], idx2s)
    pltpu.sync_copy(dst4.at[cid, sid], idx2d)

    zero_my_rows()
    plsc.subcore_barrier()

    pltpu.async_copy(tab.at[idx2s.at[pl.ds(0, CHUNK)]], rA, sGA)

    def step(i, carry):
      @pl.when(i % 2 == 0)
      def _():
        @pl.when(i + 1 < NCH)
        def _():
          @pl.when(i > 0)
          def _():
            drain(rB, sSB)
          pltpu.async_copy(tab.at[idx2s.at[pl.ds((i + 1) * CHUNK, CHUNK)]], rB, sGB)
        drain(rA, sGA)
        pltpu.async_copy(rA, acc.at[idx2d.at[i]], sSA, add=True)

      @pl.when(i % 2 == 1)
      def _():
        @pl.when(i + 1 < NCH)
        def _():
          drain(rA, sSA)
          pltpu.async_copy(tab.at[idx2s.at[pl.ds((i + 1) * CHUNK, CHUNK)]], rA, sGA)
        drain(rB, sGB)
        pltpu.async_copy(rB, acc.at[idx2d.at[i]], sSB, add=True)
      return carry
    lax.fori_loop(0, NCH, step, 0)

    drain(rA, sSA)
    drain(rB, sSB)

    plsc.subcore_barrier()
    copy_out_my_rows(s_out)

    if with_counts:
      zero_my_rows()
      plsc.subcore_barrier()
      pltpu.sync_copy(o128, rB)

      def cstep(i, carry):
        @pl.when(i % 2 == 0)
        def _():
          @pl.when(i > 1)
          def _():
            drain(rB, sSA)
          pltpu.async_copy(rB, acc.at[idx2d.at[i]], sSA, add=True)

        @pl.when(i % 2 == 1)
        def _():
          @pl.when(i > 1)
          def _():
            drain(rB, sSB)
          pltpu.async_copy(rB, acc.at[idx2d.at[i]], sSB, add=True)
        return carry
      lax.fori_loop(0, NCH, cstep, 0)

      drain(rB, sSA)
      drain(rB, sSB)

      plsc.subcore_barrier()
      copy_out_my_rows(c_out)

  return pl.kernel(body, out_type=tuple(outs), mesh=mesh,
                   scratch_types=scratch)


_sc_segsum_l0 = _make_sc_segsum(True)
_sc_segsum_l1 = _make_sc_segsum(False)


def _fused_body(relu, s_ref, cnt_ref, x_ref, wl_ref, bl_ref, wr_ref, o_ref):
  inv = 1.0 / jnp.maximum(cnt_ref[:, 0:1], 1.0)
  mean = s_ref[...] * inv
  acc = lax.dot_general(mean, wl_ref[...], (((1,), (0,)), ((), ())),
                        preferred_element_type=jnp.float32)
  acc = acc + lax.dot_general(x_ref[...], wr_ref[...], (((1,), (0,)), ((), ())),
                              preferred_element_type=jnp.float32)
  acc = acc + bl_ref[...]
  if relu:
    acc = jnp.maximum(acc, 0.0)
  o_ref[...] = acc


def _fused(s, cnt, x, wl, bl, wr, relu):
  n = s.shape[0]
  blk = 1000
  grid = n // blk
  return pl.pallas_call(
      functools.partial(_fused_body, relu),
      grid=(grid,),
      in_specs=[pl.BlockSpec((blk, D), lambda i: (i, 0)),
                pl.BlockSpec((blk, D), lambda i: (i, 0)),
                pl.BlockSpec((blk, D), lambda i: (i, 0)),
                pl.BlockSpec((D, D), lambda i: (0, 0)),
                pl.BlockSpec((1, D), lambda i: (0, 0)),
                pl.BlockSpec((D, D), lambda i: (0, 0))],
      out_specs=pl.BlockSpec((blk, D), lambda i: (i, 0)),
      out_shape=jax.ShapeDtypeStruct((n, D), jnp.float32),
  )(s, cnt, x, wl, bl.reshape(1, D), wr)


def kernel(x_user, x_item, ei_ui, ei_iu,
           Wl0_ui, bl0_ui, Wr0_ui, Wl0_iu, bl0_iu, Wr0_iu,
           Wl1_ui, bl1_ui, Wr1_ui, Wl1_iu, bl1_iu, Wr1_iu):
  z128 = jnp.zeros((N_ITEM, D), jnp.float32)
  o128 = jnp.ones((CHUNK, D), jnp.float32)
  src_ui, dst_ui = ei_ui[0], ei_ui[1]
  src_iu, dst_iu = ei_iu[0], ei_iu[1]

  srccat = jnp.concatenate([src_ui, src_iu + N_ITEM])
  dst4 = jnp.concatenate([dst_ui, dst_iu]).reshape(2, NS, NCH, CHUNK)

  tab0 = jnp.concatenate([x_user, x_item], axis=0)
  s2, c2 = _sc_segsum_l0(tab0, srccat, dst4, z128, o128)
  s_i0, s_u0 = s2[0], s2[1]
  cnt_i, cnt_u = c2[0], c2[1]
  h_item = _fused(s_i0, cnt_i, x_item, Wl0_ui, bl0_ui, Wr0_ui, relu=True)
  h_user = _fused(s_u0, cnt_u, x_user, Wl0_iu, bl0_iu, Wr0_iu, relu=True)

  tab1 = jnp.concatenate([h_user, h_item], axis=0)
  (s2b,) = _sc_segsum_l1(tab1, srccat, dst4, z128, o128)
  s_i1, s_u1 = s2b[0], s2b[1]
  o_item = _fused(s_i1, cnt_i, h_item, Wl1_ui, bl1_ui, Wr1_ui, relu=False)
  o_user = _fused(s_u1, cnt_u, h_user, Wl1_iu, bl1_iu, Wr1_iu, relu=False)
  return (o_user, o_item)

# --- scband reference (transcript-rebuilt; emitter-appended) ---
"""Pipeline reference for scband-heterogeneous-rgcn-53077205844206 (READ-ONLY COPY).

The authoritative reference and input builder live on the scoring server;
editing this copy changes nothing except your own understanding.
"""

import jax, jax.numpy as jnp
import numpy as np

N_USER = 10000
N_ITEM = 10000
E = 160000
D = 128


def _sage(x_src, x_dst, ei, Wl, bl, Wr, num_dst):
    # PyG SAGEConv(aggr='mean'): out = lin_l(mean_{j in N(i)} x_src_j) + lin_r(x_dst_i)
    msgs = x_src[ei[0]]
    s = jax.ops.segment_sum(msgs, ei[1], num_segments=num_dst)
    cnt = jax.ops.segment_sum(jnp.ones((ei.shape[1],), x_src.dtype), ei[1], num_segments=num_dst)
    mean = s / jnp.clip(cnt, 1.0)[:, None]
    return mean @ Wl + bl + x_dst @ Wr


def setup_inputs(seed: int = 0) -> dict:
    key = jax.random.key(seed)
    ks = jax.random.split(key, 24)
    inp = {
        "x_user": jax.random.normal(ks[0], (N_USER, D), jnp.float32),
        "x_item": jax.random.normal(ks[1], (N_ITEM, D), jnp.float32),
        "ei_ui": jax.random.randint(ks[2], (2, E), 0, N_ITEM, dtype=jnp.int32),
        "ei_iu": jax.random.randint(ks[3], (2, E), 0, N_USER, dtype=jnp.int32),
    }
    idx = 4
    for l in range(2):
        for rel in ("ui", "iu"):
            inp[f"Wl{l}_{rel}"] = jax.random.normal(ks[idx], (D, D), jnp.float32) / np.sqrt(D)
            idx += 1
            inp[f"bl{l}_{rel}"] = jnp.zeros((D,), jnp.float32)
            inp[f"Wr{l}_{rel}"] = jax.random.normal(ks[idx], (D, D), jnp.float32) / np.sqrt(D)
            idx += 1
    return inp


def reference(x_user, x_item, ei_ui, ei_iu,
              Wl0_ui, bl0_ui, Wr0_ui, Wl0_iu, bl0_iu, Wr0_iu,
              Wl1_ui, bl1_ui, Wr1_ui, Wl1_iu, bl1_iu, Wr1_iu):
    # Layer 0: HeteroConv (each node type is dst of exactly one relation, so sum-aggr is trivial)
    h_item = _sage(x_user, x_item, ei_ui, Wl0_ui, bl0_ui, Wr0_ui, N_ITEM)
    h_user = _sage(x_item, x_user, ei_iu, Wl0_iu, bl0_iu, Wr0_iu, N_USER)
    # inter-layer: relu (+dropout, identity in eval mode)
    h_item = jax.nn.relu(h_item)
    h_user = jax.nn.relu(h_user)
    # Layer 1
    o_item = _sage(h_user, h_item, ei_ui, Wl1_ui, bl1_ui, Wr1_ui, N_ITEM)
    o_user = _sage(h_item, h_user, ei_iu, Wl1_iu, bl1_iu, Wr1_iu, N_USER)
    return (o_user, o_item)

if __name__ == "__main__":
    import jax
    _d = setup_inputs()
    print(jax.jit(kernel)(*tuple(_d.values())))

</pallas_src>

<mosaic_0001>
#map = affine_map<(d0, d1) -> (0, 0)>
#map1 = affine_map<(d0, d1) -> (0)>
#map2 = affine_map<(d0, d1) -> (0, 0, 0, 0)>
#map3 = affine_map<(d0, d1) -> (0, 0, 0)>
module attributes {stable_mosaic.version = 14 : i64} {
  func.func @body(%arg0: i32, %arg1: i32, %arg2: memref<20000x128xf32, #tpu.memory_space<hbm>>, %arg3: memref<320000xi32, #tpu.memory_space<hbm>>, %arg4: memref<2x16x125x80xi32, #tpu.memory_space<hbm>>, %arg5: memref<10000x128xf32, #tpu.memory_space<hbm>>, %arg6: memref<80x128xf32, #tpu.memory_space<hbm>>, %arg7: memref<2x10000x128xf32, #tpu.memory_space<hbm>>, %arg8: memref<2x10000x128xf32, #tpu.memory_space<hbm>>, %arg9: memref<10000xi32, #tpu.memory_space<vmem>>, %arg10: memref<125x80xi32, #tpu.memory_space<vmem>>, %arg11: memref<80x128xf32, #tpu.memory_space<vmem>>, %arg12: memref<80x128xf32, #tpu.memory_space<vmem>>, %arg13: memref<10000x128xf32, #tpu.memory_space<vmem_shared>>, %arg14: memref<!tpu.dma_semaphore, #tpu.memory_space<semaphore_mem>>, %arg15: memref<!tpu.dma_semaphore, #tpu.memory_space<semaphore_mem>>, %arg16: memref<!tpu.dma_semaphore, #tpu.memory_space<semaphore_mem>>, %arg17: memref<!tpu.dma_semaphore, #tpu.memory_space<semaphore_mem>>) attributes {dimension_semantics = [#tpu.dimension_semantics<core_parallel>, #tpu.dimension_semantics<subcore_parallel>], iteration_bounds = array<i64: 2, 16>, scalar_prefetch = 0 : i64, scratch_operands = 9 : i64, tpu.core_type = #tpu.core_type<sc_vector_subcore>, window_params = [{transform_indices = #map}, {transform_indices = #map1}, {transform_indices = #map2}, {transform_indices = #map}, {transform_indices = #map}, {transform_indices = #map3}, {transform_indices = #map3}]} {
    %mul3A = arith.constant 624 : i32
    %mul3A_0 = arith.muli %arg1, %mul3A : i32
    %mul3A_1 = arith.constant 160000 : i32
    %mul3A_2 = arith.muli %arg0, %mul3A_1 : i32
    %mul3A_3 = arith.constant 10000 : i32
    %mul3A_4 = arith.muli %arg1, %mul3A_3 : i32
    %add3A = arith.addi %mul3A_2, %mul3A_4 : i32
    "tpu.region"() ({
      %run_scoped3A = tpu.sem_alloc : memref<!tpu.dma_semaphore, #tpu.memory_space<semaphore_mem>>
      %dma_start3A_63 = tpu.memref_slice %arg3[%add3A] : memref<320000xi32, #tpu.memory_space<hbm>> -> memref<10000xi32, #tpu.memory_space<hbm>>
      %dma_start3A_64 = tpu.memref_slice %arg3[%add3A] : memref<320000xi32, #tpu.memory_space<hbm>> -> memref<10000xi32, #tpu.memory_space<hbm>>
      tpu.enqueue_dma source(%dma_start3A_64 : memref<10000xi32, #tpu.memory_space<hbm>>) target(%arg9 : memref<10000xi32, #tpu.memory_space<vmem>>) target_semaphore(%run_scoped3A : memref<!tpu.dma_semaphore, #tpu.memory_space<semaphore_mem>>)
      %dma_wait3A_65 = tpu.memref_slice %arg3[%add3A] : memref<320000xi32, #tpu.memory_space<hbm>> -> memref<10000xi32, #tpu.memory_space<hbm>>
      %dma_wait3A_66 = tpu.memref_slice %arg3[%add3A] : memref<320000xi32, #tpu.memory_space<hbm>> -> memref<10000xi32, #tpu.memory_space<hbm>>
      tpu.wait_dma2 semaphore(%run_scoped3A : memref<!tpu.dma_semaphore, #tpu.memory_space<semaphore_mem>>) src(%dma_wait3A_66 : memref<10000xi32, #tpu.memory_space<hbm>>) dst(%arg9 : memref<10000xi32, #tpu.memory_space<vmem>>)
      tpu.yield
    }) : () -> ()
    "tpu.region"() ({
      %run_scoped3A = tpu.sem_alloc : memref<!tpu.dma_semaphore, #tpu.memory_space<semaphore_mem>>
      %dma_start3A_63 = arith.constant 0 : i32
      %dma_start3A_64 = arith.constant 0 : i32
      %dma_start3A_65 = tpu.memref_slice %arg4[%arg0, %arg1, %dma_start3A_63, %dma_start3A_64] : memref<2x16x125x80xi32, #tpu.memory_space<hbm>> -> memref<1x1x125x80xi32, #tpu.memory_space<hbm>>
      %dma_start3A_66 = tpu.memref_squeeze %dma_start3A_65 : memref<1x1x125x80xi32, #tpu.memory_space<hbm>> -> memref<125x80xi32, #tpu.memory_space<hbm>>
      %dma_start3A_67 = arith.constant 0 : i32
      %dma_start3A_68 = arith.constant 0 : i32
      %dma_start3A_69 = tpu.memref_slice %arg4[%arg0, %arg1, %dma_start3A_67, %dma_start3A_68] : memref<2x16x125x80xi32, #tpu.memory_space<hbm>> -> memref<1x1x125x80xi32, #tpu.memory_space<hbm>>
      %dma_start3A_70 = tpu.memref_squeeze %dma_start3A_69 : memref<1x1x125x80xi32, #tpu.memory_space<hbm>> -> memref<125x80xi32, #tpu.memory_space<hbm>>
      tpu.enqueue_dma source(%dma_start3A_70 : memref<125x80xi32, #tpu.memory_space<hbm>>) target(%arg10 : memref<125x80xi32, #tpu.memory_space<vmem>>) target_semaphore(%run_scoped3A : memref<!tpu.dma_semaphore, #tpu.memory_space<semaphore_mem>>)
      %dma_wait3A_71 = arith.constant 0 : i32
      %dma_wait3A_72 = arith.constant 0 : i32
      %dma_wait3A_73 = tpu.memref_slice %arg4[%arg0, %arg1, %dma_wait3A_71, %dma_wait3A_72] : memref<2x16x125x80xi32, #tpu.memory_space<hbm>> -> memref<1x1x125x80xi32, #tpu.memory_space<hbm>>
      %dma_wait3A_74 = tpu.memref_squeeze %dma_wait3A_73 : memref<1x1x125x80xi32, #tpu.memory_space<hbm>> -> memref<125x80xi32, #tpu.memory_space<hbm>>
      %dma_wait3A_75 = arith.constant 0 : i32
      %dma_wait3A_76 = arith.constant 0 : i32
      %dma_wait3A_77 = tpu.memref_slice %arg4[%arg0, %arg1, %dma_wait3A_75, %dma_wait3A_76] : memref<2x16x125x80xi32, #tpu.memory_space<hbm>> -> memref<1x1x125x80xi32, #tpu.memory_space<hbm>>
      %dma_wait3A_78 = tpu.memref_squeeze %dma_wait3A_77 : memref<1x1x125x80xi32, #tpu.memory_space<hbm>> -> memref<125x80xi32, #tpu.memory_space<hbm>>
      tpu.wait_dma2 semaphore(%run_scoped3A : memref<!tpu.dma_semaphore, #tpu.memory_space<semaphore_mem>>) src(%dma_wait3A_78 : memref<125x80xi32, #tpu.memory_space<hbm>>) dst(%arg10 : memref<125x80xi32, #tpu.memory_space<vmem>>)
      tpu.yield
    }) : () -> ()
    "tpu.region"() ({
      %run_scoped3A = tpu.sem_alloc : memref<!tpu.dma_semaphore, #tpu.memory_space<semaphore_mem>>
      %dma_start3A_63 = arith.constant 0 : i32
      %dma_start3A_64 = tpu.memref_slice %arg13[%mul3A_0, %dma_start3A_63] : memref<10000x128xf32, #tpu.memory_space<vmem_shared>> -> memref<624x128xf32, #tpu.memory_space<vmem_shared>>
      %dma_start3A_65 = arith.constant 0 : i32
      %dma_start3A_66 = tpu.memref_slice %arg5[%mul3A_0, %dma_start3A_65] : memref<10000x128xf32, #tpu.memory_space<hbm>> -> memref<624x128xf32, #tpu.memory_space<hbm>>
      tpu.enqueue_dma source(%dma_start3A_66 : memref<624x128xf32, #tpu.memory_space<hbm>>) target(%dma_start3A_64 : memref<624x128xf32, #tpu.memory_space<vmem_shared>>) target_semaphore(%run_scoped3A : memref<!tpu.dma_semaphore, #tpu.memory_space<semaphore_mem>>)
      %dma_wait3A_67 = arith.constant 0 : i32
      %dma_wait3A_68 = tpu.memref_slice %arg13[%mul3A_0, %dma_wait3A_67] : memref<10000x128xf32, #tpu.memory_space<vmem_shared>> -> memref<624x128xf32, #tpu.memory_space<vmem_shared>>
      %dma_wait3A_69 = arith.constant 0 : i32
      %dma_wait3A_70 = tpu.memref_slice %arg5[%mul3A_0, %dma_wait3A_69] : memref<10000x128xf32, #tpu.memory_space<hbm>> -> memref<624x128xf32, #tpu.memory_space<hbm>>
      tpu.wait_dma2 semaphore(%run_scoped3A : memref<!tpu.dma_semaphore, #tpu.memory_space<semaphore_mem>>) src(%dma_wait3A_70 : memref<624x128xf32, #tpu.memory_space<hbm>>) dst(%dma_wait3A_68 : memref<624x128xf32, #tpu.memory_space<vmem_shared>>)
      tpu.yield
    }) : () -> ()
    %eq3A = arith.constant 15 : i32
    %eq3A_5 = arith.cmpi eq, %arg1, %eq3A : i32
    %convert_element_type3A = arith.extui %eq3A_5 : i1 to i32
    %cond3A = arith.constant 0 : i32
    %cond3A_6 = arith.cmpi ne, %convert_element_type3A, %cond3A : i32
    scf.if %cond3A_6 {
      "tpu.region"() ({
        %run_scoped3A = tpu.sem_alloc : memref<!tpu.dma_semaphore, #tpu.memory_space<semaphore_mem>>
        %dma_start3A_63 = arith.constant 9984 : i32
        %dma_start3A_64 = arith.constant 0 : i32
        %dma_start3A_65 = tpu.memref_slice %arg13[%dma_start3A_63, %dma_start3A_64] : memref<10000x128xf32, #tpu.memory_space<vmem_shared>> -> memref<16x128xf32, #tpu.memory_space<vmem_shared>>
        %dma_start3A_66 = arith.constant 9984 : i32
        %dma_start3A_67 = arith.constant 0 : i32
        %dma_start3A_68 = tpu.memref_slice %arg5[%dma_start3A_66, %dma_start3A_67] : memref<10000x128xf32, #tpu.memory_space<hbm>> -> memref<16x128xf32, #tpu.memory_space<hbm>>
        tpu.enqueue_dma source(%dma_start3A_68 : memref<16x128xf32, #tpu.memory_space<hbm>>) target(%dma_start3A_65 : memref<16x128xf32, #tpu.memory_space<vmem_shared>>) target_semaphore(%run_scoped3A : memref<!tpu.dma_semaphore, #tpu.memory_space<semaphore_mem>>)
        %dma_wait3A_69 = arith.constant 9984 : i32
        %dma_wait3A_70 = arith.constant 0 : i32
        %dma_wait3A_71 = tpu.memref_slice %arg13[%dma_wait3A_69, %dma_wait3A_70] : memref<10000x128xf32, #tpu.memory_space<vmem_shared>> -> memref<16x128xf32, #tpu.memory_space<vmem_shared>>
        %dma_wait3A_72 = arith.constant 9984 : i32
        %dma_wait3A_73 = arith.constant 0 : i32
        %dma_wait3A_74 = tpu.memref_slice %arg5[%dma_wait3A_72, %dma_wait3A_73] : memref<10000x128xf32, #tpu.memory_space<hbm>> -> memref<16x128xf32, #tpu.memory_space<hbm>>
        tpu.wait_dma2 semaphore(%run_scoped3A : memref<!tpu.dma_semaphore, #tpu.memory_space<semaphore_mem>>) src(%dma_wait3A_74 : memref<16x128xf32, #tpu.memory_space<hbm>>) dst(%dma_wait3A_71 : memref<16x128xf32, #tpu.memory_space<vmem_shared>>)
        tpu.yield
      }) : () -> ()
    } else {
    }
    %barrier3A = arith.constant 0 : index
    tpu.barrier barrier_id(%barrier3A)
    %dma_start3A = arith.constant 0 : i32
    %dma_start3A_7 = tpu.memref_slice %arg9[%dma_start3A] : memref<10000xi32, #tpu.memory_space<vmem>> -> memref<80xi32, #tpu.memory_space<vmem>>
    %dma_start3A_8 = arith.constant 0 : i32
    %dma_start3A_9 = arith.constant 0 : i32
    %dma_start3A_10 = tpu.memref_slice %arg2[%dma_start3A_8, %dma_start3A_9] : memref<20000x128xf32, #tpu.memory_space<hbm>> -> memref<20000x128xf32, #tpu.memory_space<hbm>>
    tpu.enqueue_indirect_dma source(%dma_start3A_10 : memref<20000x128xf32, #tpu.memory_space<hbm>>) target(%arg11 : memref<80x128xf32, #tpu.memory_space<vmem>>) offsets(%dma_start3A_7 : memref<80xi32, #tpu.memory_space<vmem>>) semaphore(%arg14 : memref<!tpu.dma_semaphore, #tpu.memory_space<semaphore_mem>>)
    %scan3A = arith.constant 0 : i32
    %scan3A_11 = arith.constant 0 : i32
    %scan3A_12 = arith.constant 125 : i32
    %scan3A_13 = arith.addi %scan3A_11, %scan3A_12 : i32
    %scan3A_14 = arith.constant 1 : i32
    scf.for %scan3A_63 = %scan3A_11 to %scan3A_13 step %scan3A_14  : i32 {
      %jit3A = arith.constant 2 : i32
      %eq3A_64 = arith.constant 0 : i32
      %eq3A_65 = arith.cmpi eq, %jit3A, %eq3A_64 : i32
      %jit3A_66 = arith.constant 1 : i32
      %select_n3A = arith.select %eq3A_65, %jit3A_66, %jit3A : i32
      %rem3A = arith.remsi %scan3A_63, %select_n3A : i32
      %ne3A = arith.constant 0 : i32
      %ne3A_67 = arith.cmpi ne, %rem3A, %ne3A : i32
      %lt3A = arith.constant 0 : i32
      %lt3A_68 = arith.cmpi slt, %rem3A, %lt3A : i32
      %lt3A_69 = arith.constant 0 : i32
      %lt3A_70 = arith.cmpi slt, %select_n3A, %lt3A_69 : i32
      %ne3A_71 = arith.xori %lt3A_68, %lt3A_70 : i1
      %and3A = arith.andi %ne3A_71, %ne3A_67 : i1
      %add3A_72 = arith.addi %rem3A, %select_n3A : i32
      %select_n3A_73 = arith.select %and3A, %add3A_72, %rem3A : i32
      %eq3A_74 = arith.constant 0 : i32
      %eq3A_75 = arith.cmpi eq, %select_n3A_73, %eq3A_74 : i32
      %convert_element_type3A_76 = arith.extui %eq3A_75 : i1 to i32
      %cond3A_77 = arith.constant 0 : i32
      %cond3A_78 = arith.cmpi ne, %convert_element_type3A_76, %cond3A_77 : i32
      scf.if %cond3A_78 {
        %add3A_100 = arith.constant 1 : i32
        %add3A_101 = arith.addi %scan3A_63, %add3A_100 : i32
        %lt3A_102 = arith.constant 125 : i32
        %lt3A_103 = arith.cmpi slt, %add3A_101, %lt3A_102 : i32
        %convert_element_type3A_104 = arith.extui %lt3A_103 : i1 to i32
        %cond3A_105 = arith.constant 0 : i32
        %cond3A_106 = arith.cmpi ne, %convert_element_type3A_104, %cond3A_105 : i32
        scf.if %cond3A_106 {
          %gt3A = arith.constant 0 : i32
          %gt3A_119 = arith.cmpi sgt, %scan3A_63, %gt3A : i32
          %convert_element_type3A_120 = arith.extui %gt3A_119 : i1 to i32
          %cond3A_121 = arith.constant 0 : i32
          %cond3A_122 = arith.cmpi ne, %convert_element_type3A_120, %cond3A_121 : i32
          scf.if %cond3A_122 {
            %dma_wait3A_131 = arith.constant 0 : i32
            %dma_wait3A_132 = arith.constant 0 : i32
            %dma_wait3A_133 = tpu.memref_slice %arg5[%dma_wait3A_131, %dma_wait3A_132] : memref<10000x128xf32, #tpu.memory_space<hbm>> -> memref<80x128xf32, #tpu.memory_space<hbm>>
            %dma_wait3A_134 = arith.constant 0 : i32
            %dma_wait3A_135 = arith.constant 0 : i32
            %dma_wait3A_136 = tpu.memref_slice %arg5[%dma_wait3A_134, %dma_wait3A_135] : memref<10000x128xf32, #tpu.memory_space<hbm>> -> memref<80x128xf32, #tpu.memory_space<hbm>>
            tpu.wait_dma2 semaphore(%arg17 : memref<!tpu.dma_semaphore, #tpu.memory_space<semaphore_mem>>) src(%dma_wait3A_136 : memref<80x128xf32, #tpu.memory_space<hbm>>) dst(%arg12 : memref<80x128xf32, #tpu.memory_space<vmem>>)
          } else {
          }
          %add3A_123 = arith.constant 1 : i32
          %add3A_124 = arith.addi %scan3A_63, %add3A_123 : i32
          %mul3A_125 = arith.constant 80 : i32
          %mul3A_126 = arith.muli %add3A_124, %mul3A_125 : i32
          %dma_start3A_127 = tpu.memref_slice %arg9[%mul3A_126] : memref<10000xi32, #tpu.memory_space<vmem>> -> memref<80xi32, #tpu.memory_space<vmem>>
          %dma_start3A_128 = arith.constant 0 : i32
          %dma_start3A_129 = arith.constant 0 : i32
          %dma_start3A_130 = tpu.memref_slice %arg2[%dma_start3A_128, %dma_start3A_129] : memref<20000x128xf32, #tpu.memory_space<hbm>> -> memref<20000x128xf32, #tpu.memory_space<hbm>>
          tpu.enqueue_indirect_dma source(%dma_start3A_130 : memref<20000x128xf32, #tpu.memory_space<hbm>>) target(%arg12 : memref<80x128xf32, #tpu.memory_space<vmem>>) offsets(%dma_start3A_127 : memref<80xi32, #tpu.memory_space<vmem>>) semaphore(%arg15 : memref<!tpu.dma_semaphore, #tpu.memory_space<semaphore_mem>>)
        } else {
        }
        %dma_wait3A_107 = arith.constant 0 : i32
        %dma_wait3A_108 = arith.constant 0 : i32
        %dma_wait3A_109 = tpu.memref_slice %arg5[%dma_wait3A_107, %dma_wait3A_108] : memref<10000x128xf32, #tpu.memory_space<hbm>> -> memref<80x128xf32, #tpu.memory_space<hbm>>
        %dma_wait3A_110 = arith.constant 0 : i32
        %dma_wait3A_111 = arith.constant 0 : i32
        %dma_wait3A_112 = tpu.memref_slice %arg5[%dma_wait3A_110, %dma_wait3A_111] : memref<10000x128xf32, #tpu.memory_space<hbm>> -> memref<80x128xf32, #tpu.memory_space<hbm>>
        tpu.wait_dma2 semaphore(%arg14 : memref<!tpu.dma_semaphore, #tpu.memory_space<semaphore_mem>>) src(%dma_wait3A_112 : memref<80x128xf32, #tpu.memory_space<hbm>>) dst(%arg11 : memref<80x128xf32, #tpu.memory_space<vmem>>)
        %dma_start3A_113 = arith.constant 0 : i32
        %dma_start3A_114 = tpu.memref_slice %arg10[%scan3A_63, %dma_start3A_113] : memref<125x80xi32, #tpu.memory_space<vmem>> -> memref<1x80xi32, #tpu.memory_space<vmem>>
        %dma_start3A_115 = tpu.memref_squeeze %dma_start3A_114 : memref<1x80xi32, #tpu.memory_space<vmem>> -> memref<80xi32, #tpu.memory_space<vmem>>
        %dma_start3A_116 = arith.constant 0 : i32
        %dma_start3A_117 = arith.constant 0 : i32
        %dma_start3A_118 = tpu.memref_slice %arg13[%dma_start3A_116, %dma_start3A_117] : memref<10000x128xf32, #tpu.memory_space<vmem_shared>> -> memref<10000x128xf32, #tpu.memory_space<vmem_shared>>
        tpu.enqueue_indirect_dma source(%arg11 : memref<80x128xf32, #tpu.memory_space<vmem>>) target(%dma_start3A_118 : memref<10000x128xf32, #tpu.memory_space<vmem_shared>>) offsets(%dma_start3A_115 : memref<80xi32, #tpu.memory_space<vmem>>) semaphore(%arg16 : memref<!tpu.dma_semaphore, #tpu.memory_space<semaphore_mem>>) {add = true}
      } else {
      }
      %jit3A_79 = arith.constant 2 : i32
      %eq3A_80 = arith.constant 0 : i32
      %eq3A_81 = arith.cmpi eq, %jit3A_79, %eq3A_80 : i32
      %jit3A_82 = arith.constant 1 : i32
      %select_n3A_83 = arith.select %eq3A_81, %jit3A_82, %jit3A_79 : i32
      %rem3A_84 = arith.remsi %scan3A_63, %select_n3A_83 : i32
      %ne3A_85 = arith.constant 0 : i32
      %ne3A_86 = arith.cmpi ne, %rem3A_84, %ne3A_85 : i32
      %lt3A_87 = arith.constant 0 : i32
      %lt3A_88 = arith.cmpi slt, %rem3A_84, %lt3A_87 : i32
      %lt3A_89 = arith.constant 0 : i32
      %lt3A_90 = arith.cmpi slt, %select_n3A_83, %lt3A_89 : i32
      %ne3A_91 = arith.xori %lt3A_88, %lt3A_90 : i1
      %and3A_92 = arith.andi %ne3A_91, %ne3A_86 : i1
      %add3A_93 = arith.addi %rem3A_84, %select_n3A_83 : i32
      %select_n3A_94 = arith.select %and3A_92, %add3A_93, %rem3A_84 : i32
      %eq3A_95 = arith.constant 1 : i32
      %eq3A_96 = arith.cmpi eq, %select_n3A_94, %eq3A_95 : i32
      %convert_element_type3A_97 = arith.extui %eq3A_96 : i1 to i32
      %cond3A_98 = arith.constant 0 : i32
      %cond3A_99 = arith.cmpi ne, %convert_element_type3A_97, %cond3A_98 : i32
      scf.if %cond3A_99 {
        %add3A_100 = arith.constant 1 : i32
        %add3A_101 = arith.addi %scan3A_63, %add3A_100 : i32
        %lt3A_102 = arith.constant 125 : i32
        %lt3A_103 = arith.cmpi slt, %add3A_101, %lt3A_102 : i32
        %convert_element_type3A_104 = arith.extui %lt3A_103 : i1 to i32
        %cond3A_105 = arith.constant 0 : i32
        %cond3A_106 = arith.cmpi ne, %convert_element_type3A_104, %cond3A_105 : i32
        scf.if %cond3A_106 {
          %dma_wait3A_119 = arith.constant 0 : i32
          %dma_wait3A_120 = arith.constant 0 : i32
          %dma_wait3A_121 = tpu.memref_slice %arg5[%dma_wait3A_119, %dma_wait3A_120] : memref<10000x128xf32, #tpu.memory_space<hbm>> -> memref<80x128xf32, #tpu.memory_space<hbm>>
          %dma_wait3A_122 = arith.constant 0 : i32
          %dma_wait3A_123 = arith.constant 0 : i32
          %dma_wait3A_124 = tpu.memref_slice %arg5[%dma_wait3A_122, %dma_wait3A_123] : memref<10000x128xf32, #tpu.memory_space<hbm>> -> memref<80x128xf32, #tpu.memory_space<hbm>>
          tpu.wait_dma2 semaphore(%arg16 : memref<!tpu.dma_semaphore, #tpu.memory_space<semaphore_mem>>) src(%dma_wait3A_124 : memref<80x128xf32, #tpu.memory_space<hbm>>) dst(%arg11 : memref<80x128xf32, #tpu.memory_space<vmem>>)
          %add3A_125 = arith.constant 1 : i32
          %add3A_126 = arith.addi %scan3A_63, %add3A_125 : i32
          %mul3A_127 = arith.constant 80 : i32
          %mul3A_128 = arith.muli %add3A_126, %mul3A_127 : i32
          %dma_start3A_129 = tpu.memref_slice %arg9[%mul3A_128] : memref<10000xi32, #tpu.memory_space<vmem>> -> memref<80xi32, #tpu.memory_space<vmem>>
          %dma_start3A_130 = arith.constant 0 : i32
          %dma_start3A_131 = arith.constant 0 : i32
          %dma_start3A_132 = tpu.memref_slice %arg2[%dma_start3A_130, %dma_start3A_131] : memref<20000x128xf32, #tpu.memory_space<hbm>> -> memref<20000x128xf32, #tpu.memory_space<hbm>>
          tpu.enqueue_indirect_dma source(%dma_start3A_132 : memref<20000x128xf32, #tpu.memory_space<hbm>>) target(%arg11 : memref<80x128xf32, #tpu.memory_space<vmem>>) offsets(%dma_start3A_129 : memref<80xi32, #tpu.memory_space<vmem>>) semaphore(%arg14 : memref<!tpu.dma_semaphore, #tpu.memory_space<semaphore_mem>>)
        } else {
        }
        %dma_wait3A_107 = arith.constant 0 : i32
        %dma_wait3A_108 = arith.constant 0 : i32
        %dma_wait3A_109 = tpu.memref_slice %arg5[%dma_wait3A_107, %dma_wait3A_108] : memref<10000x128xf32, #tpu.memory_space<hbm>> -> memref<80x128xf32, #tpu.memory_space<hbm>>
        %dma_wait3A_110 = arith.constant 0 : i32
        %dma_wait3A_111 = arith.constant 0 : i32
        %dma_wait3A_112 = tpu.memref_slice %arg5[%dma_wait3A_110, %dma_wait3A_111] : memref<10000x128xf32, #tpu.memory_space<hbm>> -> memref<80x128xf32, #tpu.memory_space<hbm>>
        tpu.wait_dma2 semaphore(%arg15 : memref<!tpu.dma_semaphore, #tpu.memory_space<semaphore_mem>>) src(%dma_wait3A_112 : memref<80x128xf32, #tpu.memory_space<hbm>>) dst(%arg12 : memref<80x128xf32, #tpu.memory_space<vmem>>)
        %dma_start3A_113 = arith.constant 0 : i32
        %dma_start3A_114 = tpu.memref_slice %arg10[%scan3A_63, %dma_start3A_113] : memref<125x80xi32, #tpu.memory_space<vmem>> -> memref<1x80xi32, #tpu.memory_space<vmem>>
        %dma_start3A_115 = tpu.memref_squeeze %dma_start3A_114 : memref<1x80xi32, #tpu.memory_space<vmem>> -> memref<80xi32, #tpu.memory_space<vmem>>
        %dma_start3A_116 = arith.constant 0 : i32
        %dma_start3A_117 = arith.constant 0 : i32
        %dma_start3A_118 = tpu.memref_slice %arg13[%dma_start3A_116, %dma_start3A_117] : memref<10000x128xf32, #tpu.memory_space<vmem_shared>> -> memref<10000x128xf32, #tpu.memory_space<vmem_shared>>
        tpu.enqueue_indirect_dma source(%arg12 : memref<80x128xf32, #tpu.memory_space<vmem>>) target(%dma_start3A_118 : memref<10000x128xf32, #tpu.memory_space<vmem_shared>>) offsets(%dma_start3A_115 : memref<80xi32, #tpu.memory_space<vmem>>) semaphore(%arg17 : memref<!tpu.dma_semaphore, #tpu.memory_space<semaphore_mem>>) {add = true}
      } else {
      }
    }
    %scan3A_15 = arith.constant 125 : i32
    %dma_wait3A = arith.constant 0 : i32
    %dma_wait3A_16 = arith.constant 0 : i32
    %dma_wait3A_17 = tpu.memref_slice %arg5[%dma_wait3A, %dma_wait3A_16] : memref<10000x128xf32, #tpu.memory_space<hbm>> -> memref<80x128xf32, #tpu.memory_space<hbm>>
    %dma_wait3A_18 = arith.constant 0 : i32
    %dma_wait3A_19 = arith.constant 0 : i32
    %dma_wait3A_20 = tpu.memref_slice %arg5[%dma_wait3A_18, %dma_wait3A_19] : memref<10000x128xf32, #tpu.memory_space<hbm>> -> memref<80x128xf32, #tpu.memory_space<hbm>>
    tpu.wait_dma2 semaphore(%arg16 : memref<!tpu.dma_semaphore, #tpu.memory_space<semaphore_mem>>) src(%dma_wait3A_20 : memref<80x128xf32, #tpu.memory_space<hbm>>) dst(%arg11 : memref<80x128xf32, #tpu.memory_space<vmem>>)
    %dma_wait3A_21 = arith.constant 0 : i32
    %dma_wait3A_22 = arith.constant 0 : i32
    %dma_wait3A_23 = tpu.memref_slice %arg5[%dma_wait3A_21, %dma_wait3A_22] : memref<10000x128xf32, #tpu.memory_space<hbm>> -> memref<80x128xf32, #tpu.memory_space<hbm>>
    %dma_wait3A_24 = arith.constant 0 : i32
    %dma_wait3A_25 = arith.constant 0 : i32
    %dma_wait3A_26 = tpu.memref_slice %arg5[%dma_wait3A_24, %dma_wait3A_25] : memref<10000x128xf32, #tpu.memory_space<hbm>> -> memref<80x128xf32, #tpu.memory_space<hbm>>
    tpu.wait_dma2 semaphore(%arg17 : memref<!tpu.dma_semaphore, #tpu.memory_space<semaphore_mem>>) src(%dma_wait3A_26 : memref<80x128xf32, #tpu.memory_space<hbm>>) dst(%arg12 : memref<80x128xf32, #tpu.memory_space<vmem>>)
    %barrier3A_27 = arith.constant 0 : index
    tpu.barrier barrier_id(%barrier3A_27)
    "tpu.region"() ({
      %run_scoped3A = tpu.sem_alloc : memref<!tpu.dma_semaphore, #tpu.memory_space<semaphore_mem>>
      %dma_start3A_63 = arith.constant 0 : i32
      %dma_start3A_64 = tpu.memref_slice %arg7[%arg0, %mul3A_0, %dma_start3A_63] : memref<2x10000x128xf32, #tpu.memory_space<hbm>> -> memref<1x624x128xf32, #tpu.memory_space<hbm>>
      %dma_start3A_65 = tpu.memref_squeeze %dma_start3A_64 : memref<1x624x128xf32, #tpu.memory_space<hbm>> -> memref<624x128xf32, #tpu.memory_space<hbm>>
      %dma_start3A_66 = arith.constant 0 : i32
      %dma_start3A_67 = tpu.memref_slice %arg13[%mul3A_0, %dma_start3A_66] : memref<10000x128xf32, #tpu.memory_space<vmem_shared>> -> memref<624x128xf32, #tpu.memory_space<vmem_shared>>
      tpu.enqueue_dma source(%dma_start3A_67 : memref<624x128xf32, #tpu.memory_space<vmem_shared>>) target(%dma_start3A_65 : memref<624x128xf32, #tpu.memory_space<hbm>>) target_semaphore(%run_scoped3A : memref<!tpu.dma_semaphore, #tpu.memory_space<semaphore_mem>>)
      %dma_wait3A_68 = arith.constant 0 : i32
      %dma_wait3A_69 = tpu.memref_slice %arg7[%arg0, %mul3A_0, %dma_wait3A_68] : memref<2x10000x128xf32, #tpu.memory_space<hbm>> -> memref<1x624x128xf32, #tpu.memory_space<hbm>>
      %dma_wait3A_70 = tpu.memref_squeeze %dma_wait3A_69 : memref<1x624x128xf32, #tpu.memory_space<hbm>> -> memref<624x128xf32, #tpu.memory_space<hbm>>
      %dma_wait3A_71 = arith.constant 0 : i32
      %dma_wait3A_72 = tpu.memref_slice %arg13[%mul3A_0, %dma_wait3A_71] : memref<10000x128xf32, #tpu.memory_space<vmem_shared>> -> memref<624x128xf32, #tpu.memory_space<vmem_shared>>
      tpu.wait_dma2 semaphore(%run_scoped3A : memref<!tpu.dma_semaphore, #tpu.memory_space<semaphore_mem>>) src(%dma_wait3A_72 : memref<624x128xf32, #tpu.memory_space<vmem_shared>>) dst(%dma_wait3A_70 : memref<624x128xf32, #tpu.memory_space<hbm>>)
      tpu.yield
    }) : () -> ()
    %eq3A_28 = arith.constant 15 : i32
    %eq3A_29 = arith.cmpi eq, %arg1, %eq3A_28 : i32
    %convert_element_type3A_30 = arith.extui %eq3A_29 : i1 to i32
    %cond3A_31 = arith.constant 0 : i32
    %cond3A_32 = arith.cmpi ne, %convert_element_type3A_30, %cond3A_31 : i32
    scf.if %cond3A_32 {
      "tpu.region"() ({
        %run_scoped3A = tpu.sem_alloc : memref<!tpu.dma_semaphore, #tpu.memory_space<semaphore_mem>>
        %dma_start3A_63 = arith.constant 9984 : i32
        %dma_start3A_64 = arith.constant 0 : i32
        %dma_start3A_65 = tpu.memref_slice %arg7[%arg0, %dma_start3A_63, %dma_start3A_64] : memref<2x10000x128xf32, #tpu.memory_space<hbm>> -> memref<1x16x128xf32, #tpu.memory_space<hbm>>
        %dma_start3A_66 = tpu.memref_squeeze %dma_start3A_65 : memref<1x16x128xf32, #tpu.memory_space<hbm>> -> memref<16x128xf32, #tpu.memory_space<hbm>>
        %dma_start3A_67 = arith.constant 9984 : i32
        %dma_start3A_68 = arith.constant 0 : i32
        %dma_start3A_69 = tpu.memref_slice %arg13[%dma_start3A_67, %dma_start3A_68] : memref<10000x128xf32, #tpu.memory_space<vmem_shared>> -> memref<16x128xf32, #tpu.memory_space<vmem_shared>>
        tpu.enqueue_dma source(%dma_start3A_69 : memref<16x128xf32, #tpu.memory_space<vmem_shared>>) target(%dma_start3A_66 : memref<16x128xf32, #tpu.memory_space<hbm>>) target_semaphore(%run_scoped3A : memref<!tpu.dma_semaphore, #tpu.memory_space<semaphore_mem>>)
        %dma_wait3A_70 = arith.constant 9984 : i32
        %dma_wait3A_71 = arith.constant 0 : i32
        %dma_wait3A_72 = tpu.memref_slice %arg7[%arg0, %dma_wait3A_70, %dma_wait3A_71] : memref<2x10000x128xf32, #tpu.memory_space<hbm>> -> memref<1x16x128xf32, #tpu.memory_space<hbm>>
        %dma_wait3A_73 = tpu.memref_squeeze %dma_wait3A_72 : memref<1x16x128xf32, #tpu.memory_space<hbm>> -> memref<16x128xf32, #tpu.memory_space<hbm>>
        %dma_wait3A_74 = arith.constant 9984 : i32
        %dma_wait3A_75 = arith.constant 0 : i32
        %dma_wait3A_76 = tpu.memref_slice %arg13[%dma_wait3A_74, %dma_wait3A_75] : memref<10000x128xf32, #tpu.memory_space<vmem_shared>> -> memref<16x128xf32, #tpu.memory_space<vmem_shared>>
        tpu.wait_dma2 semaphore(%run_scoped3A : memref<!tpu.dma_semaphore, #tpu.memory_space<semaphore_mem>>) src(%dma_wait3A_76 : memref<16x128xf32, #tpu.memory_space<vmem_shared>>) dst(%dma_wait3A_73 : memref<16x128xf32, #tpu.memory_space<hbm>>)
        tpu.yield
      }) : () -> ()
    } else {
    }
    "tpu.region"() ({
      %run_scoped3A = tpu.sem_alloc : memref<!tpu.dma_semaphore, #tpu.memory_space<semaphore_mem>>
      %dma_start3A_63 = arith.constant 0 : i32
      %dma_start3A_64 = tpu.memref_slice %arg13[%mul3A_0, %dma_start3A_63] : memref<10000x128xf32, #tpu.memory_space<vmem_shared>> -> memref<624x128xf32, #tpu.memory_space<vmem_shared>>
      %dma_start3A_65 = arith.constant 0 : i32
      %dma_start3A_66 = tpu.memref_slice %arg5[%mul3A_0, %dma_start3A_65] : memref<10000x128xf32, #tpu.memory_space<hbm>> -> memref<624x128xf32, #tpu.memory_space<hbm>>
      tpu.enqueue_dma source(%dma_start3A_66 : memref<624x128xf32, #tpu.memory_space<hbm>>) target(%dma_start3A_64 : memref<624x128xf32, #tpu.memory_space<vmem_shared>>) target_semaphore(%run_scoped3A : memref<!tpu.dma_semaphore, #tpu.memory_space<semaphore_mem>>)
      %dma_wait3A_67 = arith.constant 0 : i32
      %dma_wait3A_68 = tpu.memref_slice %arg13[%mul3A_0, %dma_wait3A_67] : memref<10000x128xf32, #tpu.memory_space<vmem_shared>> -> memref<624x128xf32, #tpu.memory_space<vmem_shared>>
      %dma_wait3A_69 = arith.constant 0 : i32
      %dma_wait3A_70 = tpu.memref_slice %arg5[%mul3A_0, %dma_wait3A_69] : memref<10000x128xf32, #tpu.memory_space<hbm>> -> memref<624x128xf32, #tpu.memory_space<hbm>>
      tpu.wait_dma2 semaphore(%run_scoped3A : memref<!tpu.dma_semaphore, #tpu.memory_space<semaphore_mem>>) src(%dma_wait3A_70 : memref<624x128xf32, #tpu.memory_space<hbm>>) dst(%dma_wait3A_68 : memref<624x128xf32, #tpu.memory_space<vmem_shared>>)
      tpu.yield
    }) : () -> ()
    %eq3A_33 = arith.constant 15 : i32
    %eq3A_34 = arith.cmpi eq, %arg1, %eq3A_33 : i32
    %convert_element_type3A_35 = arith.extui %eq3A_34 : i1 to i32
    %cond3A_36 = arith.constant 0 : i32
    %cond3A_37 = arith.cmpi ne, %convert_element_type3A_35, %cond3A_36 : i32
    scf.if %cond3A_37 {
      "tpu.region"() ({
        %run_scoped3A = tpu.sem_alloc : memref<!tpu.dma_semaphore, #tpu.memory_space<semaphore_mem>>
        %dma_start3A_63 = arith.constant 9984 : i32
        %dma_start3A_64 = arith.constant 0 : i32
        %dma_start3A_65 = tpu.memref_slice %arg13[%dma_start3A_63, %dma_start3A_64] : memref<10000x128xf32, #tpu.memory_space<vmem_shared>> -> memref<16x128xf32, #tpu.memory_space<vmem_shared>>
        %dma_start3A_66 = arith.constant 9984 : i32
        %dma_start3A_67 = arith.constant 0 : i32
        %dma_start3A_68 = tpu.memref_slice %arg5[%dma_start3A_66, %dma_start3A_67] : memref<10000x128xf32, #tpu.memory_space<hbm>> -> memref<16x128xf32, #tpu.memory_space<hbm>>
        tpu.enqueue_dma source(%dma_start3A_68 : memref<16x128xf32, #tpu.memory_space<hbm>>) target(%dma_start3A_65 : memref<16x128xf32, #tpu.memory_space<vmem_shared>>) target_semaphore(%run_scoped3A : memref<!tpu.dma_semaphore, #tpu.memory_space<semaphore_mem>>)
        %dma_wait3A_69 = arith.constant 9984 : i32
        %dma_wait3A_70 = arith.constant 0 : i32
        %dma_wait3A_71 = tpu.memref_slice %arg13[%dma_wait3A_69, %dma_wait3A_70] : memref<10000x128xf32, #tpu.memory_space<vmem_shared>> -> memref<16x128xf32, #tpu.memory_space<vmem_shared>>
        %dma_wait3A_72 = arith.constant 9984 : i32
        %dma_wait3A_73 = arith.constant 0 : i32
        %dma_wait3A_74 = tpu.memref_slice %arg5[%dma_wait3A_72, %dma_wait3A_73] : memref<10000x128xf32, #tpu.memory_space<hbm>> -> memref<16x128xf32, #tpu.memory_space<hbm>>
        tpu.wait_dma2 semaphore(%run_scoped3A : memref<!tpu.dma_semaphore, #tpu.memory_space<semaphore_mem>>) src(%dma_wait3A_74 : memref<16x128xf32, #tpu.memory_space<hbm>>) dst(%dma_wait3A_71 : memref<16x128xf32, #tpu.memory_space<vmem_shared>>)
        tpu.yield
      }) : () -> ()
    } else {
    }
    %barrier3A_38 = arith.constant 0 : index
    tpu.barrier barrier_id(%barrier3A_38)
    "tpu.region"() ({
      %run_scoped3A = tpu.sem_alloc : memref<!tpu.dma_semaphore, #tpu.memory_space<semaphore_mem>>
      tpu.enqueue_dma source(%arg6 : memref<80x128xf32, #tpu.memory_space<hbm>>) target(%arg12 : memref<80x128xf32, #tpu.memory_space<vmem>>) target_semaphore(%run_scoped3A : memref<!tpu.dma_semaphore, #tpu.memory_space<semaphore_mem>>)
      tpu.wait_dma2 semaphore(%run_scoped3A : memref<!tpu.dma_semaphore, #tpu.memory_space<semaphore_mem>>) src(%arg6 : memref<80x128xf32, #tpu.memory_space<hbm>>) dst(%arg12 : memref<80x128xf32, #tpu.memory_space<vmem>>)
      tpu.yield
    }) : () -> ()
    %scan3A_39 = arith.constant 0 : i32
    %scan3A_40 = arith.constant 0 : i32
    %scan3A_41 = arith.constant 125 : i32
    %scan3A_42 = arith.addi %scan3A_40, %scan3A_41 : i32
    %scan3A_43 = arith.constant 1 : i32
    scf.for %scan3A_63 = %scan3A_40 to %scan3A_42 step %scan3A_43  : i32 {
      %jit3A = arith.constant 2 : i32
      %eq3A_64 = arith.constant 0 : i32
      %eq3A_65 = arith.cmpi eq, %jit3A, %eq3A_64 : i32
      %jit3A_66 = arith.constant 1 : i32
      %select_n3A = arith.select %eq3A_65, %jit3A_66, %jit3A : i32
      %rem3A = arith.remsi %scan3A_63, %select_n3A : i32
      %ne3A = arith.constant 0 : i32
      %ne3A_67 = arith.cmpi ne, %rem3A, %ne3A : i32
      %lt3A = arith.constant 0 : i32
      %lt3A_68 = arith.cmpi slt, %rem3A, %lt3A : i32
      %lt3A_69 = arith.constant 0 : i32
      %lt3A_70 = arith.cmpi slt, %select_n3A, %lt3A_69 : i32
      %ne3A_71 = arith.xori %lt3A_68, %lt3A_70 : i1
      %and3A = arith.andi %ne3A_71, %ne3A_67 : i1
      %add3A_72 = arith.addi %rem3A, %select_n3A : i32
      %select_n3A_73 = arith.select %and3A, %add3A_72, %rem3A : i32
      %eq3A_74 = arith.constant 0 : i32
      %eq3A_75 = arith.cmpi eq, %select_n3A_73, %eq3A_74 : i32
      %convert_element_type3A_76 = arith.extui %eq3A_75 : i1 to i32
      %cond3A_77 = arith.constant 0 : i32
      %cond3A_78 = arith.cmpi ne, %convert_element_type3A_76, %cond3A_77 : i32
      scf.if %cond3A_78 {
        %gt3A = arith.constant 1 : i32
        %gt3A_100 = arith.cmpi sgt, %scan3A_63, %gt3A : i32
        %convert_element_type3A_101 = arith.extui %gt3A_100 : i1 to i32
        %cond3A_102 = arith.constant 0 : i32
        %cond3A_103 = arith.cmpi ne, %convert_element_type3A_101, %cond3A_102 : i32
        scf.if %cond3A_103 {
          %dma_wait3A_110 = arith.constant 0 : i32
          %dma_wait3A_111 = arith.constant 0 : i32
          %dma_wait3A_112 = tpu.memref_slice %arg5[%dma_wait3A_110, %dma_wait3A_111] : memref<10000x128xf32, #tpu.memory_space<hbm>> -> memref<80x128xf32, #tpu.memory_space<hbm>>
          %dma_wait3A_113 = arith.constant 0 : i32
          %dma_wait3A_114 = arith.constant 0 : i32
          %dma_wait3A_115 = tpu.memref_slice %arg5[%dma_wait3A_113, %dma_wait3A_114] : memref<10000x128xf32, #tpu.memory_space<hbm>> -> memref<80x128xf32, #tpu.memory_space<hbm>>
          tpu.wait_dma2 semaphore(%arg16 : memref<!tpu.dma_semaphore, #tpu.memory_space<semaphore_mem>>) src(%dma_wait3A_115 : memref<80x128xf32, #tpu.memory_space<hbm>>) dst(%arg12 : memref<80x128xf32, #tpu.memory_space<vmem>>)
        } else {
        }
        %dma_start3A_104 = arith.constant 0 : i32
        %dma_start3A_105 = tpu.memref_slice %arg10[%scan3A_63, %dma_start3A_104] : memref<125x80xi32, #tpu.memory_space<vmem>> -> memref<1x80xi32, #tpu.memory_space<vmem>>
        %dma_start3A_106 = tpu.memref_squeeze %dma_start3A_105 : memref<1x80xi32, #tpu.memory_space<vmem>> -> memref<80xi32, #tpu.memory_space<vmem>>
        %dma_start3A_107 = arith.constant 0 : i32
        %dma_start3A_108 = arith.constant 0 : i32
        %dma_start3A_109 = tpu.memref_slice %arg13[%dma_start3A_107, %dma_start3A_108] : memref<10000x128xf32, #tpu.memory_space<vmem_shared>> -> memref<10000x128xf32, #tpu.memory_space<vmem_shared>>
        tpu.enqueue_indirect_dma source(%arg12 : memref<80x128xf32, #tpu.memory_space<vmem>>) target(%dma_start3A_109 : memref<10000x128xf32, #tpu.memory_space<vmem_shared>>) offsets(%dma_start3A_106 : memref<80xi32, #tpu.memory_space<vmem>>) semaphore(%arg16 : memref<!tpu.dma_semaphore, #tpu.memory_space<semaphore_mem>>) {add = true}
      } else {
      }
      %jit3A_79 = arith.constant 2 : i32
      %eq3A_80 = arith.constant 0 : i32
      %eq3A_81 = arith.cmpi eq, %jit3A_79, %eq3A_80 : i32
      %jit3A_82 = arith.constant 1 : i32
      %select_n3A_83 = arith.select %eq3A_81, %jit3A_82, %jit3A_79 : i32
      %rem3A_84 = arith.remsi %scan3A_63, %select_n3A_83 : i32
      %ne3A_85 = arith.constant 0 : i32
      %ne3A_86 = arith.cmpi ne, %rem3A_84, %ne3A_85 : i32
      %lt3A_87 = arith.constant 0 : i32
      %lt3A_88 = arith.cmpi slt, %rem3A_84, %lt3A_87 : i32
      %lt3A_89 = arith.constant 0 : i32
      %lt3A_90 = arith.cmpi slt, %select_n3A_83, %lt3A_89 : i32
      %ne3A_91 = arith.xori %lt3A_88, %lt3A_90 : i1
      %and3A_92 = arith.andi %ne3A_91, %ne3A_86 : i1
      %add3A_93 = arith.addi %rem3A_84, %select_n3A_83 : i32
      %select_n3A_94 = arith.select %and3A_92, %add3A_93, %rem3A_84 : i32
      %eq3A_95 = arith.constant 1 : i32
      %eq3A_96 = arith.cmpi eq, %select_n3A_94, %eq3A_95 : i32
      %convert_element_type3A_97 = arith.extui %eq3A_96 : i1 to i32
      %cond3A_98 = arith.constant 0 : i32
      %cond3A_99 = arith.cmpi ne, %convert_element_type3A_97, %cond3A_98 : i32
      scf.if %cond3A_99 {
        %gt3A = arith.constant 1 : i32
        %gt3A_100 = arith.cmpi sgt, %scan3A_63, %gt3A : i32
        %convert_element_type3A_101 = arith.extui %gt3A_100 : i1 to i32
        %cond3A_102 = arith.constant 0 : i32
        %cond3A_103 = arith.cmpi ne, %convert_element_type3A_101, %cond3A_102 : i32
        scf.if %cond3A_103 {
          %dma_wait3A_110 = arith.constant 0 : i32
          %dma_wait3A_111 = arith.constant 0 : i32
          %dma_wait3A_112 = tpu.memref_slice %arg5[%dma_wait3A_110, %dma_wait3A_111] : memref<10000x128xf32, #tpu.memory_space<hbm>> -> memref<80x128xf32, #tpu.memory_space<hbm>>
          %dma_wait3A_113 = arith.constant 0 : i32
          %dma_wait3A_114 = arith.constant 0 : i32
          %dma_wait3A_115 = tpu.memref_slice %arg5[%dma_wait3A_113, %dma_wait3A_114] : memref<10000x128xf32, #tpu.memory_space<hbm>> -> memref<80x128xf32, #tpu.memory_space<hbm>>
          tpu.wait_dma2 semaphore(%arg17 : memref<!tpu.dma_semaphore, #tpu.memory_space<semaphore_mem>>) src(%dma_wait3A_115 : memref<80x128xf32, #tpu.memory_space<hbm>>) dst(%arg12 : memref<80x128xf32, #tpu.memory_space<vmem>>)
        } else {
        }
        %dma_start3A_104 = arith.constant 0 : i32
        %dma_start3A_105 = tpu.memref_slice %arg10[%scan3A_63, %dma_start3A_104] : memref<125x80xi32, #tpu.memory_space<vmem>> -> memref<1x80xi32, #tpu.memory_space<vmem>>
        %dma_start3A_106 = tpu.memref_squeeze %dma_start3A_105 : memref<1x80xi32, #tpu.memory_space<vmem>> -> memref<80xi32, #tpu.memory_space<vmem>>
        %dma_start3A_107 = arith.constant 0 : i32
        %dma_start3A_108 = arith.constant 0 : i32
        %dma_start3A_109 = tpu.memref_slice %arg13[%dma_start3A_107, %dma_start3A_108] : memref<10000x128xf32, #tpu.memory_space<vmem_shared>> -> memref<10000x128xf32, #tpu.memory_space<vmem_shared>>
        tpu.enqueue_indirect_dma source(%arg12 : memref<80x128xf32, #tpu.memory_space<vmem>>) target(%dma_start3A_109 : memref<10000x128xf32, #tpu.memory_space<vmem_shared>>) offsets(%dma_start3A_106 : memref<80xi32, #tpu.memory_space<vmem>>) semaphore(%arg17 : memref<!tpu.dma_semaphore, #tpu.memory_space<semaphore_mem>>) {add = true}
      } else {
      }
    }
    %scan3A_44 = arith.constant 125 : i32
    %dma_wait3A_45 = arith.constant 0 : i32
    %dma_wait3A_46 = arith.constant 0 : i32
    %dma_wait3A_47 = tpu.memref_slice %arg5[%dma_wait3A_45, %dma_wait3A_46] : memref<10000x128xf32, #tpu.memory_space<hbm>> -> memref<80x128xf32, #tpu.memory_space<hbm>>
    %dma_wait3A_48 = arith.constant 0 : i32
    %dma_wait3A_49 = arith.constant 0 : i32
    %dma_wait3A_50 = tpu.memref_slice %arg5[%dma_wait3A_48, %dma_wait3A_49] : memref<10000x128xf32, #tpu.memory_space<hbm>> -> memref<80x128xf32, #tpu.memory_space<hbm>>
    tpu.wait_dma2 semaphore(%arg16 : memref<!tpu.dma_semaphore, #tpu.memory_space<semaphore_mem>>) src(%dma_wait3A_50 : memref<80x128xf32, #tpu.memory_space<hbm>>) dst(%arg12 : memref<80x128xf32, #tpu.memory_space<vmem>>)
    %dma_wait3A_51 = arith.constant 0 : i32
    %dma_wait3A_52 = arith.constant 0 : i32
    %dma_wait3A_53 = tpu.memref_slice %arg5[%dma_wait3A_51, %dma_wait3A_52] : memref<10000x128xf32, #tpu.memory_space<hbm>> -> memref<80x128xf32, #tpu.memory_space<hbm>>
    %dma_wait3A_54 = arith.constant 0 : i32
    %dma_wait3A_55 = arith.constant 0 : i32
    %dma_wait3A_56 = tpu.memref_slice %arg5[%dma_wait3A_54, %dma_wait3A_55] : memref<10000x128xf32, #tpu.memory_space<hbm>> -> memref<80x128xf32, #tpu.memory_space<hbm>>
    tpu.wait_dma2 semaphore(%arg17 : memref<!tpu.dma_semaphore, #tpu.memory_space<semaphore_mem>>) src(%dma_wait3A_56 : memref<80x128xf32, #tpu.memory_space<hbm>>) dst(%arg12 : memref<80x128xf32, #tpu.memory_space<vmem>>)
    %barrier3A_57 = arith.constant 0 : index
    tpu.barrier barrier_id(%barrier3A_57)
    "tpu.region"() ({
      %run_scoped3A = tpu.sem_alloc : memref<!tpu.dma_semaphore, #tpu.memory_space<semaphore_mem>>
      %dma_start3A_63 = arith.constant 0 : i32
      %dma_start3A_64 = tpu.memref_slice %arg8[%arg0, %mul3A_0, %dma_start3A_63] : memref<2x10000x128xf32, #tpu.memory_space<hbm>> -> memref<1x624x128xf32, #tpu.memory_space<hbm>>
      %dma_start3A_65 = tpu.memref_squeeze %dma_start3A_64 : memref<1x624x128xf32, #tpu.memory_space<hbm>> -> memref<624x128xf32, #tpu.memory_space<hbm>>
      %dma_start3A_66 = arith.constant 0 : i32
      %dma_start3A_67 = tpu.memref_slice %arg13[%mul3A_0, %dma_start3A_66] : memref<10000x128xf32, #tpu.memory_space<vmem_shared>> -> memref<624x128xf32, #tpu.memory_space<vmem_shared>>
      tpu.enqueue_dma source(%dma_start3A_67 : memref<624x128xf32, #tpu.memory_space<vmem_shared>>) target(%dma_start3A_65 : memref<624x128xf32, #tpu.memory_space<hbm>>) target_semaphore(%run_scoped3A : memref<!tpu.dma_semaphore, #tpu.memory_space<semaphore_mem>>)
      %dma_wait3A_68 = arith.constant 0 : i32
      %dma_wait3A_69 = tpu.memref_slice %arg8[%arg0, %mul3A_0, %dma_wait3A_68] : memref<2x10000x128xf32, #tpu.memory_space<hbm>> -> memref<1x624x128xf32, #tpu.memory_space<hbm>>
      %dma_wait3A_70 = tpu.memref_squeeze %dma_wait3A_69 : memref<1x624x128xf32, #tpu.memory_space<hbm>> -> memref<624x128xf32, #tpu.memory_space<hbm>>
      %dma_wait3A_71 = arith.constant 0 : i32
      %dma_wait3A_72 = tpu.memref_slice %arg13[%mul3A_0, %dma_wait3A_71] : memref<10000x128xf32, #tpu.memory_space<vmem_shared>> -> memref<624x128xf32, #tpu.memory_space<vmem_shared>>
      tpu.wait_dma2 semaphore(%run_scoped3A : memref<!tpu.dma_semaphore, #tpu.memory_space<semaphore_mem>>) src(%dma_wait3A_72 : memref<624x128xf32, #tpu.memory_space<vmem_shared>>) dst(%dma_wait3A_70 : memref<624x128xf32, #tpu.memory_space<hbm>>)
      tpu.yield
    }) : () -> ()
    %eq3A_58 = arith.constant 15 : i32
    %eq3A_59 = arith.cmpi eq, %arg1, %eq3A_58 : i32
    %convert_element_type3A_60 = arith.extui %eq3A_59 : i1 to i32
    %cond3A_61 = arith.constant 0 : i32
    %cond3A_62 = arith.cmpi ne, %convert_element_type3A_60, %cond3A_61 : i32
    scf.if %cond3A_62 {
      "tpu.region"() ({
        %run_scoped3A = tpu.sem_alloc : memref<!tpu.dma_semaphore, #tpu.memory_space<semaphore_mem>>
        %dma_start3A_63 = arith.constant 9984 : i32
        %dma_start3A_64 = arith.constant 0 : i32
        %dma_start3A_65 = tpu.memref_slice %arg8[%arg0, %dma_start3A_63, %dma_start3A_64] : memref<2x10000x128xf32, #tpu.memory_space<hbm>> -> memref<1x16x128xf32, #tpu.memory_space<hbm>>
        %dma_start3A_66 = tpu.memref_squeeze %dma_start3A_65 : memref<1x16x128xf32, #tpu.memory_space<hbm>> -> memref<16x128xf32, #tpu.memory_space<hbm>>
        %dma_start3A_67 = arith.constant 9984 : i32
        %dma_start3A_68 = arith.constant 0 : i32
        %dma_start3A_69 = tpu.memref_slice %arg13[%dma_start3A_67, %dma_start3A_68] : memref<10000x128xf32, #tpu.memory_space<vmem_shared>> -> memref<16x128xf32, #tpu.memory_space<vmem_shared>>
        tpu.enqueue_dma source(%dma_start3A_69 : memref<16x128xf32, #tpu.memory_space<vmem_shared>>) target(%dma_start3A_66 : memref<16x128xf32, #tpu.memory_space<hbm>>) target_semaphore(%run_scoped3A : memref<!tpu.dma_semaphore, #tpu.memory_space<semaphore_mem>>)
        %dma_wait3A_70 = arith.constant 9984 : i32
        %dma_wait3A_71 = arith.constant 0 : i32
        %dma_wait3A_72 = tpu.memref_slice %arg8[%arg0, %dma_wait3A_70, %dma_wait3A_71] : memref<2x10000x128xf32, #tpu.memory_space<hbm>> -> memref<1x16x128xf32, #tpu.memory_space<hbm>>
        %dma_wait3A_73 = tpu.memref_squeeze %dma_wait3A_72 : memref<1x16x128xf32, #tpu.memory_space<hbm>> -> memref<16x128xf32, #tpu.memory_space<hbm>>
        %dma_wait3A_74 = arith.constant 9984 : i32
        %dma_wait3A_75 = arith.constant 0 : i32
        %dma_wait3A_76 = tpu.memref_slice %arg13[%dma_wait3A_74, %dma_wait3A_75] : memref<10000x128xf32, #tpu.memory_space<vmem_shared>> -> memref<16x128xf32, #tpu.memory_space<vmem_shared>>
        tpu.wait_dma2 semaphore(%run_scoped3A : memref<!tpu.dma_semaphore, #tpu.memory_space<semaphore_mem>>) src(%dma_wait3A_76 : memref<16x128xf32, #tpu.memory_space<vmem_shared>>) dst(%dma_wait3A_73 : memref<16x128xf32, #tpu.memory_space<hbm>>)
        tpu.yield
      }) : () -> ()
    } else {
    }
    return
  }
}

#map = affine_map<(d0, d1) -> (0, 0)>
#map1 = affine_map<(d0, d1) -> (0)>
#map2 = affine_map<(d0, d1) -> (0, 0, 0, 0)>
#map3 = affine_map<(d0, d1) -> (0, 0, 0)>
module attributes {stable_mosaic.version = 14 : i64} {
  func.func @body(%arg0: i32, %arg1: i32, %arg2: memref<20000x128xf32, #tpu.memory_space<hbm>>, %arg3: memref<320000xi32, #tpu.memory_space<hbm>>, %arg4: memref<2x16x125x80xi32, #tpu.memory_space<hbm>>, %arg5: memref<10000x128xf32, #tpu.memory_space<hbm>>, %arg6: memref<80x128xf32, #tpu.memory_space<hbm>>, %arg7: memref<2x10000x128xf32, #tpu.memory_space<hbm>>, %arg8: memref<10000xi32, #tpu.memory_space<vmem>>, %arg9: memref<125x80xi32, #tpu.memory_space<vmem>>, %arg10: memref<80x128xf32, #tpu.memory_space<vmem>>, %arg11: memref<80x128xf32, #tpu.memory_space<vmem>>, %arg12: memref<10000x128xf32, #tpu.memory_space<vmem_shared>>, %arg13: memref<!tpu.dma_semaphore, #tpu.memory_space<semaphore_mem>>, %arg14: memref<!tpu.dma_semaphore, #tpu.memory_space<semaphore_mem>>, %arg15: memref<!tpu.dma_semaphore, #tpu.memory_space<semaphore_mem>>, %arg16: memref<!tpu.dma_semaphore, #tpu.memory_space<semaphore_mem>>) attributes {dimension_semantics = [#tpu.dimension_semantics<core_parallel>, #tpu.dimension_semantics<subcore_parallel>], iteration_bounds = array<i64: 2, 16>, scalar_prefetch = 0 : i64, scratch_operands = 9 : i64, tpu.core_type = #tpu.core_type<sc_vector_subcore>, window_params = [{transform_indices = #map}, {transform_indices = #map1}, {transform_indices = #map2}, {transform_indices = #map}, {transform_indices = #map}, {transform_indices = #map3}]} {
    %mul3A = arith.constant 624 : i32
    %mul3A_0 = arith.muli %arg1, %mul3A : i32
    %mul3A_1 = arith.constant 160000 : i32
    %mul3A_2 = arith.muli %arg0, %mul3A_1 : i32
    %mul3A_3 = arith.constant 10000 : i32
    %mul3A_4 = arith.muli %arg1, %mul3A_3 : i32
    %add3A = arith.addi %mul3A_2, %mul3A_4 : i32
    "tpu.region"() ({
      %run_scoped3A = tpu.sem_alloc : memref<!tpu.dma_semaphore, #tpu.memory_space<semaphore_mem>>
      %dma_start3A_33 = tpu.memref_slice %arg3[%add3A] : memref<320000xi32, #tpu.memory_space<hbm>> -> memref<10000xi32, #tpu.memory_space<hbm>>
      %dma_start3A_34 = tpu.memref_slice %arg3[%add3A] : memref<320000xi32, #tpu.memory_space<hbm>> -> memref<10000xi32, #tpu.memory_space<hbm>>
      tpu.enqueue_dma source(%dma_start3A_34 : memref<10000xi32, #tpu.memory_space<hbm>>) target(%arg8 : memref<10000xi32, #tpu.memory_space<vmem>>) target_semaphore(%run_scoped3A : memref<!tpu.dma_semaphore, #tpu.memory_space<semaphore_mem>>)
      %dma_wait3A_35 = tpu.memref_slice %arg3[%add3A] : memref<320000xi32, #tpu.memory_space<hbm>> -> memref<10000xi32, #tpu.memory_space<hbm>>
      %dma_wait3A_36 = tpu.memref_slice %arg3[%add3A] : memref<320000xi32, #tpu.memory_space<hbm>> -> memref<10000xi32, #tpu.memory_space<hbm>>
      tpu.wait_dma2 semaphore(%run_scoped3A : memref<!tpu.dma_semaphore, #tpu.memory_space<semaphore_mem>>) src(%dma_wait3A_36 : memref<10000xi32, #tpu.memory_space<hbm>>) dst(%arg8 : memref<10000xi32, #tpu.memory_space<vmem>>)
      tpu.yield
    }) : () -> ()
    "tpu.region"() ({
      %run_scoped3A = tpu.sem_alloc : memref<!tpu.dma_semaphore, #tpu.memory_space<semaphore_mem>>
      %dma_start3A_33 = arith.constant 0 : i32
      %dma_start3A_34 = arith.constant 0 : i32
      %dma_start3A_35 = tpu.memref_slice %arg4[%arg0, %arg1, %dma_start3A_33, %dma_start3A_34] : memref<2x16x125x80xi32, #tpu.memory_space<hbm>> -> memref<1x1x125x80xi32, #tpu.memory_space<hbm>>
      %dma_start3A_36 = tpu.memref_squeeze %dma_start3A_35 : memref<1x1x125x80xi32, #tpu.memory_space<hbm>> -> memref<125x80xi32, #tpu.memory_space<hbm>>
      %dma_start3A_37 = arith.constant 0 : i32
      %dma_start3A_38 = arith.constant 0 : i32
      %dma_start3A_39 = tpu.memref_slice %arg4[%arg0, %arg1, %dma_start3A_37, %dma_start3A_38] : memref<2x16x125x80xi32, #tpu.memory_space<hbm>> -> memref<1x1x125x80xi32, #tpu.memory_space<hbm>>
      %dma_start3A_40 = tpu.memref_squeeze %dma_start3A_39 : memref<1x1x125x80xi32, #tpu.memory_space<hbm>> -> memref<125x80xi32, #tpu.memory_space<hbm>>
      tpu.enqueue_dma source(%dma_start3A_40 : memref<125x80xi32, #tpu.memory_space<hbm>>) target(%arg9 : memref<125x80xi32, #tpu.memory_space<vmem>>) target_semaphore(%run_scoped3A : memref<!tpu.dma_semaphore, #tpu.memory_space<semaphore_mem>>)
      %dma_wait3A_41 = arith.constant 0 : i32
      %dma_wait3A_42 = arith.constant 0 : i32
      %dma_wait3A_43 = tpu.memref_slice %arg4[%arg0, %arg1, %dma_wait3A_41, %dma_wait3A_42] : memref<2x16x125x80xi32, #tpu.memory_space<hbm>> -> memref<1x1x125x80xi32, #tpu.memory_space<hbm>>
      %dma_wait3A_44 = tpu.memref_squeeze %dma_wait3A_43 : memref<1x1x125x80xi32, #tpu.memory_space<hbm>> -> memref<125x80xi32, #tpu.memory_space<hbm>>
      %dma_wait3A_45 = arith.constant 0 : i32
      %dma_wait3A_46 = arith.constant 0 : i32
      %dma_wait3A_47 = tpu.memref_slice %arg4[%arg0, %arg1, %dma_wait3A_45, %dma_wait3A_46] : memref<2x16x125x80xi32, #tpu.memory_space<hbm>> -> memref<1x1x125x80xi32, #tpu.memory_space<hbm>>
      %dma_wait3A_48 = tpu.memref_squeeze %dma_wait3A_47 : memref<1x1x125x80xi32, #tpu.memory_space<hbm>> -> memref<125x80xi32, #tpu.memory_space<hbm>>
      tpu.wait_dma2 semaphore(%run_scoped3A : memref<!tpu.dma_semaphore, #tpu.memory_space<semaphore_mem>>) src(%dma_wait3A_48 : memref<125x80xi32, #tpu.memory_space<hbm>>) dst(%arg9 : memref<125x80xi32, #tpu.memory_space<vmem>>)
      tpu.yield
    }) : () -> ()
    "tpu.region"() ({
      %run_scoped3A = tpu.sem_alloc : memref<!tpu.dma_semaphore, #tpu.memory_space<semaphore_mem>>
      %dma_start3A_33 = arith.constant 0 : i32
      %dma_start3A_34 = tpu.memref_slice %arg12[%mul3A_0, %dma_start3A_33] : memref<10000x128xf32, #tpu.memory_space<vmem_shared>> -> memref<624x128xf32, #tpu.memory_space<vmem_shared>>
      %dma_start3A_35 = arith.constant 0 : i32
      %dma_start3A_36 = tpu.memref_slice %arg5[%mul3A_0, %dma_start3A_35] : memref<10000x128xf32, #tpu.memory_space<hbm>> -> memref<624x128xf32, #tpu.memory_space<hbm>>
      tpu.enqueue_dma source(%dma_start3A_36 : memref<624x128xf32, #tpu.memory_space<hbm>>) target(%dma_start3A_34 : memref<624x128xf32, #tpu.memory_space<vmem_shared>>) target_semaphore(%run_scoped3A : memref<!tpu.dma_semaphore, #tpu.memory_space<semaphore_mem>>)
      %dma_wait3A_37 = arith.constant 0 : i32
      %dma_wait3A_38 = tpu.memref_slice %arg12[%mul3A_0, %dma_wait3A_37] : memref<10000x128xf32, #tpu.memory_space<vmem_shared>> -> memref<624x128xf32, #tpu.memory_space<vmem_shared>>
      %dma_wait3A_39 = arith.constant 0 : i32
      %dma_wait3A_40 = tpu.memref_slice %arg5[%mul3A_0, %dma_wait3A_39] : memref<10000x128xf32, #tpu.memory_space<hbm>> -> memref<624x128xf32, #tpu.memory_space<hbm>>
      tpu.wait_dma2 semaphore(%run_scoped3A : memref<!tpu.dma_semaphore, #tpu.memory_space<semaphore_mem>>) src(%dma_wait3A_40 : memref<624x128xf32, #tpu.memory_space<hbm>>) dst(%dma_wait3A_38 : memref<624x128xf32, #tpu.memory_space<vmem_shared>>)
      tpu.yield
    }) : () -> ()
    %eq3A = arith.constant 15 : i32
    %eq3A_5 = arith.cmpi eq, %arg1, %eq3A : i32
    %convert_element_type3A = arith.extui %eq3A_5 : i1 to i32
    %cond3A = arith.constant 0 : i32
    %cond3A_6 = arith.cmpi ne, %convert_element_type3A, %cond3A : i32
    scf.if %cond3A_6 {
      "tpu.region"() ({
        %run_scoped3A = tpu.sem_alloc : memref<!tpu.dma_semaphore, #tpu.memory_space<semaphore_mem>>
        %dma_start3A_33 = arith.constant 9984 : i32
        %dma_start3A_34 = arith.constant 0 : i32
        %dma_start3A_35 = tpu.memref_slice %arg12[%dma_start3A_33, %dma_start3A_34] : memref<10000x128xf32, #tpu.memory_space<vmem_shared>> -> memref<16x128xf32, #tpu.memory_space<vmem_shared>>
        %dma_start3A_36 = arith.constant 9984 : i32
        %dma_start3A_37 = arith.constant 0 : i32
        %dma_start3A_38 = tpu.memref_slice %arg5[%dma_start3A_36, %dma_start3A_37] : memref<10000x128xf32, #tpu.memory_space<hbm>> -> memref<16x128xf32, #tpu.memory_space<hbm>>
        tpu.enqueue_dma source(%dma_start3A_38 : memref<16x128xf32, #tpu.memory_space<hbm>>) target(%dma_start3A_35 : memref<16x128xf32, #tpu.memory_space<vmem_shared>>) target_semaphore(%run_scoped3A : memref<!tpu.dma_semaphore, #tpu.memory_space<semaphore_mem>>)
        %dma_wait3A_39 = arith.constant 9984 : i32
        %dma_wait3A_40 = arith.constant 0 : i32
        %dma_wait3A_41 = tpu.memref_slice %arg12[%dma_wait3A_39, %dma_wait3A_40] : memref<10000x128xf32, #tpu.memory_space<vmem_shared>> -> memref<16x128xf32, #tpu.memory_space<vmem_shared>>
        %dma_wait3A_42 = arith.constant 9984 : i32
        %dma_wait3A_43 = arith.constant 0 : i32
        %dma_wait3A_44 = tpu.memref_slice %arg5[%dma_wait3A_42, %dma_wait3A_43] : memref<10000x128xf32, #tpu.memory_space<hbm>> -> memref<16x128xf32, #tpu.memory_space<hbm>>
        tpu.wait_dma2 semaphore(%run_scoped3A : memref<!tpu.dma_semaphore, #tpu.memory_space<semaphore_mem>>) src(%dma_wait3A_44 : memref<16x128xf32, #tpu.memory_space<hbm>>) dst(%dma_wait3A_41 : memref<16x128xf32, #tpu.memory_space<vmem_shared>>)
        tpu.yield
      }) : () -> ()
    } else {
    }
    %barrier3A = arith.constant 0 : index
    tpu.barrier barrier_id(%barrier3A)
    %dma_start3A = arith.constant 0 : i32
    %dma_start3A_7 = tpu.memref_slice %arg8[%dma_start3A] : memref<10000xi32, #tpu.memory_space<vmem>> -> memref<80xi32, #tpu.memory_space<vmem>>
    %dma_start3A_8 = arith.constant 0 : i32
    %dma_start3A_9 = arith.constant 0 : i32
    %dma_start3A_10 = tpu.memref_slice %arg2[%dma_start3A_8, %dma_start3A_9] : memref<20000x128xf32, #tpu.memory_space<hbm>> -> memref<20000x128xf32, #tpu.memory_space<hbm>>
    tpu.enqueue_indirect_dma source(%dma_start3A_10 : memref<20000x128xf32, #tpu.memory_space<hbm>>) target(%arg10 : memref<80x128xf32, #tpu.memory_space<vmem>>) offsets(%dma_start3A_7 : memref<80xi32, #tpu.memory_space<vmem>>) semaphore(%arg13 : memref<!tpu.dma_semaphore, #tpu.memory_space<semaphore_mem>>)
    %scan3A = arith.constant 0 : i32
    %scan3A_11 = arith.constant 0 : i32
    %scan3A_12 = arith.constant 125 : i32
    %scan3A_13 = arith.addi %scan3A_11, %scan3A_12 : i32
    %scan3A_14 = arith.constant 1 : i32
    scf.for %scan3A_33 = %scan3A_11 to %scan3A_13 step %scan3A_14  : i32 {
      %jit3A = arith.constant 2 : i32
      %eq3A_34 = arith.constant 0 : i32
      %eq3A_35 = arith.cmpi eq, %jit3A, %eq3A_34 : i32
      %jit3A_36 = arith.constant 1 : i32
      %select_n3A = arith.select %eq3A_35, %jit3A_36, %jit3A : i32
      %rem3A = arith.remsi %scan3A_33, %select_n3A : i32
      %ne3A = arith.constant 0 : i32
      %ne3A_37 = arith.cmpi ne, %rem3A, %ne3A : i32
      %lt3A = arith.constant 0 : i32
      %lt3A_38 = arith.cmpi slt, %rem3A, %lt3A : i32
      %lt3A_39 = arith.constant 0 : i32
      %lt3A_40 = arith.cmpi slt, %select_n3A, %lt3A_39 : i32
      %ne3A_41 = arith.xori %lt3A_38, %lt3A_40 : i1
      %and3A = arith.andi %ne3A_41, %ne3A_37 : i1
      %add3A_42 = arith.addi %rem3A, %select_n3A : i32
      %select_n3A_43 = arith.select %and3A, %add3A_42, %rem3A : i32
      %eq3A_44 = arith.constant 0 : i32
      %eq3A_45 = arith.cmpi eq, %select_n3A_43, %eq3A_44 : i32
      %convert_element_type3A_46 = arith.extui %eq3A_45 : i1 to i32
      %cond3A_47 = arith.constant 0 : i32
      %cond3A_48 = arith.cmpi ne, %convert_element_type3A_46, %cond3A_47 : i32
      scf.if %cond3A_48 {
        %add3A_70 = arith.constant 1 : i32
        %add3A_71 = arith.addi %scan3A_33, %add3A_70 : i32
        %lt3A_72 = arith.constant 125 : i32
        %lt3A_73 = arith.cmpi slt, %add3A_71, %lt3A_72 : i32
        %convert_element_type3A_74 = arith.extui %lt3A_73 : i1 to i32
        %cond3A_75 = arith.constant 0 : i32
        %cond3A_76 = arith.cmpi ne, %convert_element_type3A_74, %cond3A_75 : i32
        scf.if %cond3A_76 {
          %gt3A = arith.constant 0 : i32
          %gt3A_89 = arith.cmpi sgt, %scan3A_33, %gt3A : i32
          %convert_element_type3A_90 = arith.extui %gt3A_89 : i1 to i32
          %cond3A_91 = arith.constant 0 : i32
          %cond3A_92 = arith.cmpi ne, %convert_element_type3A_90, %cond3A_91 : i32
          scf.if %cond3A_92 {
            %dma_wait3A_101 = arith.constant 0 : i32
            %dma_wait3A_102 = arith.constant 0 : i32
            %dma_wait3A_103 = tpu.memref_slice %arg5[%dma_wait3A_101, %dma_wait3A_102] : memref<10000x128xf32, #tpu.memory_space<hbm>> -> memref<80x128xf32, #tpu.memory_space<hbm>>
            %dma_wait3A_104 = arith.constant 0 : i32
            %dma_wait3A_105 = arith.constant 0 : i32
            %dma_wait3A_106 = tpu.memref_slice %arg5[%dma_wait3A_104, %dma_wait3A_105] : memref<10000x128xf32, #tpu.memory_space<hbm>> -> memref<80x128xf32, #tpu.memory_space<hbm>>
            tpu.wait_dma2 semaphore(%arg16 : memref<!tpu.dma_semaphore, #tpu.memory_space<semaphore_mem>>) src(%dma_wait3A_106 : memref<80x128xf32, #tpu.memory_space<hbm>>) dst(%arg11 : memref<80x128xf32, #tpu.memory_space<vmem>>)
          } else {
          }
          %add3A_93 = arith.constant 1 : i32
          %add3A_94 = arith.addi %scan3A_33, %add3A_93 : i32
          %mul3A_95 = arith.constant 80 : i32
          %mul3A_96 = arith.muli %add3A_94, %mul3A_95 : i32
          %dma_start3A_97 = tpu.memref_slice %arg8[%mul3A_96] : memref<10000xi32, #tpu.memory_space<vmem>> -> memref<80xi32, #tpu.memory_space<vmem>>
          %dma_start3A_98 = arith.constant 0 : i32
          %dma_start3A_99 = arith.constant 0 : i32
          %dma_start3A_100 = tpu.memref_slice %arg2[%dma_start3A_98, %dma_start3A_99] : memref<20000x128xf32, #tpu.memory_space<hbm>> -> memref<20000x128xf32, #tpu.memory_space<hbm>>
          tpu.enqueue_indirect_dma source(%dma_start3A_100 : memref<20000x128xf32, #tpu.memory_space<hbm>>) target(%arg11 : memref<80x128xf32, #tpu.memory_space<vmem>>) offsets(%dma_start3A_97 : memref<80xi32, #tpu.memory_space<vmem>>) semaphore(%arg14 : memref<!tpu.dma_semaphore, #tpu.memory_space<semaphore_mem>>)
        } else {
        }
        %dma_wait3A_77 = arith.constant 0 : i32
        %dma_wait3A_78 = arith.constant 0 : i32
        %dma_wait3A_79 = tpu.memref_slice %arg5[%dma_wait3A_77, %dma_wait3A_78] : memref<10000x128xf32, #tpu.memory_space<hbm>> -> memref<80x128xf32, #tpu.memory_space<hbm>>
        %dma_wait3A_80 = arith.constant 0 : i32
        %dma_wait3A_81 = arith.constant 0 : i32
        %dma_wait3A_82 = tpu.memref_slice %arg5[%dma_wait3A_80, %dma_wait3A_81] : memref<10000x128xf32, #tpu.memory_space<hbm>> -> memref<80x128xf32, #tpu.memory_space<hbm>>
        tpu.wait_dma2 semaphore(%arg13 : memref<!tpu.dma_semaphore, #tpu.memory_space<semaphore_mem>>) src(%dma_wait3A_82 : memref<80x128xf32, #tpu.memory_space<hbm>>) dst(%arg10 : memref<80x128xf32, #tpu.memory_space<vmem>>)
        %dma_start3A_83 = arith.constant 0 : i32
        %dma_start3A_84 = tpu.memref_slice %arg9[%scan3A_33, %dma_start3A_83] : memref<125x80xi32, #tpu.memory_space<vmem>> -> memref<1x80xi32, #tpu.memory_space<vmem>>
        %dma_start3A_85 = tpu.memref_squeeze %dma_start3A_84 : memref<1x80xi32, #tpu.memory_space<vmem>> -> memref<80xi32, #tpu.memory_space<vmem>>
        %dma_start3A_86 = arith.constant 0 : i32
        %dma_start3A_87 = arith.constant 0 : i32
        %dma_start3A_88 = tpu.memref_slice %arg12[%dma_start3A_86, %dma_start3A_87] : memref<10000x128xf32, #tpu.memory_space<vmem_shared>> -> memref<10000x128xf32, #tpu.memory_space<vmem_shared>>
        tpu.enqueue_indirect_dma source(%arg10 : memref<80x128xf32, #tpu.memory_space<vmem>>) target(%dma_start3A_88 : memref<10000x128xf32, #tpu.memory_space<vmem_shared>>) offsets(%dma_start3A_85 : memref<80xi32, #tpu.memory_space<vmem>>) semaphore(%arg15 : memref<!tpu.dma_semaphore, #tpu.memory_space<semaphore_mem>>) {add = true}
      } else {
      }
      %jit3A_49 = arith.constant 2 : i32
      %eq3A_50 = arith.constant 0 : i32
      %eq3A_51 = arith.cmpi eq, %jit3A_49, %eq3A_50 : i32
      %jit3A_52 = arith.constant 1 : i32
      %select_n3A_53 = arith.select %eq3A_51, %jit3A_52, %jit3A_49 : i32
      %rem3A_54 = arith.remsi %scan3A_33, %select_n3A_53 : i32
      %ne3A_55 = arith.constant 0 : i32
      %ne3A_56 = arith.cmpi ne, %rem3A_54, %ne3A_55 : i32
      %lt3A_57 = arith.constant 0 : i32
      %lt3A_58 = arith.cmpi slt, %rem3A_54, %lt3A_57 : i32
      %lt3A_59 = arith.constant 0 : i32
      %lt3A_60 = arith.cmpi slt, %select_n3A_53, %lt3A_59 : i32
      %ne3A_61 = arith.xori %lt3A_58, %lt3A_60 : i1
      %and3A_62 = arith.andi %ne3A_61, %ne3A_56 : i1
      %add3A_63 = arith.addi %rem3A_54, %select_n3A_53 : i32
      %select_n3A_64 = arith.select %and3A_62, %add3A_63, %rem3A_54 : i32
      %eq3A_65 = arith.constant 1 : i32
      %eq3A_66 = arith.cmpi eq, %select_n3A_64, %eq3A_65 : i32
      %convert_element_type3A_67 = arith.extui %eq3A_66 : i1 to i32
      %cond3A_68 = arith.constant 0 : i32
      %cond3A_69 = arith.cmpi ne, %convert_element_type3A_67, %cond3A_68 : i32
      scf.if %cond3A_69 {
        %add3A_70 = arith.constant 1 : i32
        %add3A_71 = arith.addi %scan3A_33, %add3A_70 : i32
        %lt3A_72 = arith.constant 125 : i32
        %lt3A_73 = arith.cmpi slt, %add3A_71, %lt3A_72 : i32
        %convert_element_type3A_74 = arith.extui %lt3A_73 : i1 to i32
        %cond3A_75 = arith.constant 0 : i32
        %cond3A_76 = arith.cmpi ne, %convert_element_type3A_74, %cond3A_75 : i32
        scf.if %cond3A_76 {
          %dma_wait3A_89 = arith.constant 0 : i32
          %dma_wait3A_90 = arith.constant 0 : i32
          %dma_wait3A_91 = tpu.memref_slice %arg5[%dma_wait3A_89, %dma_wait3A_90] : memref<10000x128xf32, #tpu.memory_space<hbm>> -> memref<80x128xf32, #tpu.memory_space<hbm>>
          %dma_wait3A_92 = arith.constant 0 : i32
          %dma_wait3A_93 = arith.constant 0 : i32
          %dma_wait3A_94 = tpu.memref_slice %arg5[%dma_wait3A_92, %dma_wait3A_93] : memref<10000x128xf32, #tpu.memory_space<hbm>> -> memref<80x128xf32, #tpu.memory_space<hbm>>
          tpu.wait_dma2 semaphore(%arg15 : memref<!tpu.dma_semaphore, #tpu.memory_space<semaphore_mem>>) src(%dma_wait3A_94 : memref<80x128xf32, #tpu.memory_space<hbm>>) dst(%arg10 : memref<80x128xf32, #tpu.memory_space<vmem>>)
          %add3A_95 = arith.constant 1 : i32
          %add3A_96 = arith.addi %scan3A_33, %add3A_95 : i32
          %mul3A_97 = arith.constant 80 : i32
          %mul3A_98 = arith.muli %add3A_96, %mul3A_97 : i32
          %dma_start3A_99 = tpu.memref_slice %arg8[%mul3A_98] : memref<10000xi32, #tpu.memory_space<vmem>> -> memref<80xi32, #tpu.memory_space<vmem>>
          %dma_start3A_100 = arith.constant 0 : i32
          %dma_start3A_101 = arith.constant 0 : i32
          %dma_start3A_102 = tpu.memref_slice %arg2[%dma_start3A_100, %dma_start3A_101] : memref<20000x128xf32, #tpu.memory_space<hbm>> -> memref<20000x128xf32, #tpu.memory_space<hbm>>
          tpu.enqueue_indirect_dma source(%dma_start3A_102 : memref<20000x128xf32, #tpu.memory_space<hbm>>) target(%arg10 : memref<80x128xf32, #tpu.memory_space<vmem>>) offsets(%dma_start3A_99 : memref<80xi32, #tpu.memory_space<vmem>>) semaphore(%arg13 : memref<!tpu.dma_semaphore, #tpu.memory_space<semaphore_mem>>)
        } else {
        }
        %dma_wait3A_77 = arith.constant 0 : i32
        %dma_wait3A_78 = arith.constant 0 : i32
        %dma_wait3A_79 = tpu.memref_slice %arg5[%dma_wait3A_77, %dma_wait3A_78] : memref<10000x128xf32, #tpu.memory_space<hbm>> -> memref<80x128xf32, #tpu.memory_space<hbm>>
        %dma_wait3A_80 = arith.constant 0 : i32
        %dma_wait3A_81 = arith.constant 0 : i32
        %dma_wait3A_82 = tpu.memref_slice %arg5[%dma_wait3A_80, %dma_wait3A_81] : memref<10000x128xf32, #tpu.memory_space<hbm>> -> memref<80x128xf32, #tpu.memory_space<hbm>>
        tpu.wait_dma2 semaphore(%arg14 : memref<!tpu.dma_semaphore, #tpu.memory_space<semaphore_mem>>) src(%dma_wait3A_82 : memref<80x128xf32, #tpu.memory_space<hbm>>) dst(%arg11 : memref<80x128xf32, #tpu.memory_space<vmem>>)
        %dma_start3A_83 = arith.constant 0 : i32
        %dma_start3A_84 = tpu.memref_slice %arg9[%scan3A_33, %dma_start3A_83] : memref<125x80xi32, #tpu.memory_space<vmem>> -> memref<1x80xi32, #tpu.memory_space<vmem>>
        %dma_start3A_85 = tpu.memref_squeeze %dma_start3A_84 : memref<1x80xi32, #tpu.memory_space<vmem>> -> memref<80xi32, #tpu.memory_space<vmem>>
        %dma_start3A_86 = arith.constant 0 : i32
        %dma_start3A_87 = arith.constant 0 : i32
        %dma_start3A_88 = tpu.memref_slice %arg12[%dma_start3A_86, %dma_start3A_87] : memref<10000x128xf32, #tpu.memory_space<vmem_shared>> -> memref<10000x128xf32, #tpu.memory_space<vmem_shared>>
        tpu.enqueue_indirect_dma source(%arg11 : memref<80x128xf32, #tpu.memory_space<vmem>>) target(%dma_start3A_88 : memref<10000x128xf32, #tpu.memory_space<vmem_shared>>) offsets(%dma_start3A_85 : memref<80xi32, #tpu.memory_space<vmem>>) semaphore(%arg16 : memref<!tpu.dma_semaphore, #tpu.memory_space<semaphore_mem>>) {add = true}
      } else {
      }
    }
    %scan3A_15 = arith.constant 125 : i32
    %dma_wait3A = arith.constant 0 : i32
    %dma_wait3A_16 = arith.constant 0 : i32
    %dma_wait3A_17 = tpu.memref_slice %arg5[%dma_wait3A, %dma_wait3A_16] : memref<10000x128xf32, #tpu.memory_space<hbm>> -> memref<80x128xf32, #tpu.memory_space<hbm>>
    %dma_wait3A_18 = arith.constant 0 : i32
    %dma_wait3A_19 = arith.constant 0 : i32
    %dma_wait3A_20 = tpu.memref_slice %arg5[%dma_wait3A_18, %dma_wait3A_19] : memref<10000x128xf32, #tpu.memory_space<hbm>> -> memref<80x128xf32, #tpu.memory_space<hbm>>
    tpu.wait_dma2 semaphore(%arg15 : memref<!tpu.dma_semaphore, #tpu.memory_space<semaphore_mem>>) src(%dma_wait3A_20 : memref<80x128xf32, #tpu.memory_space<hbm>>) dst(%arg10 : memref<80x128xf32, #tpu.memory_space<vmem>>)
    %dma_wait3A_21 = arith.constant 0 : i32
    %dma_wait3A_22 = arith.constant 0 : i32
    %dma_wait3A_23 = tpu.memref_slice %arg5[%dma_wait3A_21, %dma_wait3A_22] : memref<10000x128xf32, #tpu.memory_space<hbm>> -> memref<80x128xf32, #tpu.memory_space<hbm>>
    %dma_wait3A_24 = arith.constant 0 : i32
    %dma_wait3A_25 = arith.constant 0 : i32
    %dma_wait3A_26 = tpu.memref_slice %arg5[%dma_wait3A_24, %dma_wait3A_25] : memref<10000x128xf32, #tpu.memory_space<hbm>> -> memref<80x128xf32, #tpu.memory_space<hbm>>
    tpu.wait_dma2 semaphore(%arg16 : memref<!tpu.dma_semaphore, #tpu.memory_space<semaphore_mem>>) src(%dma_wait3A_26 : memref<80x128xf32, #tpu.memory_space<hbm>>) dst(%arg11 : memref<80x128xf32, #tpu.memory_space<vmem>>)
    %barrier3A_27 = arith.constant 0 : index
    tpu.barrier barrier_id(%barrier3A_27)
    "tpu.region"() ({
      %run_scoped3A = tpu.sem_alloc : memref<!tpu.dma_semaphore, #tpu.memory_space<semaphore_mem>>
      %dma_start3A_33 = arith.constant 0 : i32
      %dma_start3A_34 = tpu.memref_slice %arg7[%arg0, %mul3A_0, %dma_start3A_33] : memref<2x10000x128xf32, #tpu.memory_space<hbm>> -> memref<1x624x128xf32, #tpu.memory_space<hbm>>
      %dma_start3A_35 = tpu.memref_squeeze %dma_start3A_34 : memref<1x624x128xf32, #tpu.memory_space<hbm>> -> memref<624x128xf32, #tpu.memory_space<hbm>>
      %dma_start3A_36 = arith.constant 0 : i32
      %dma_start3A_37 = tpu.memref_slice %arg12[%mul3A_0, %dma_start3A_36] : memref<10000x128xf32, #tpu.memory_space<vmem_shared>> -> memref<624x128xf32, #tpu.memory_space<vmem_shared>>
      tpu.enqueue_dma source(%dma_start3A_37 : memref<624x128xf32, #tpu.memory_space<vmem_shared>>) target(%dma_start3A_35 : memref<624x128xf32, #tpu.memory_space<hbm>>) target_semaphore(%run_scoped3A : memref<!tpu.dma_semaphore, #tpu.memory_space<semaphore_mem>>)
      %dma_wait3A_38 = arith.constant 0 : i32
      %dma_wait3A_39 = tpu.memref_slice %arg7[%arg0, %mul3A_0, %dma_wait3A_38] : memref<2x10000x128xf32, #tpu.memory_space<hbm>> -> memref<1x624x128xf32, #tpu.memory_space<hbm>>
      %dma_wait3A_40 = tpu.memref_squeeze %dma_wait3A_39 : memref<1x624x128xf32, #tpu.memory_space<hbm>> -> memref<624x128xf32, #tpu.memory_space<hbm>>
      %dma_wait3A_41 = arith.constant 0 : i32
      %dma_wait3A_42 = tpu.memref_slice %arg12[%mul3A_0, %dma_wait3A_41] : memref<10000x128xf32, #tpu.memory_space<vmem_shared>> -> memref<624x128xf32, #tpu.memory_space<vmem_shared>>
      tpu.wait_dma2 semaphore(%run_scoped3A : memref<!tpu.dma_semaphore, #tpu.memory_space<semaphore_mem>>) src(%dma_wait3A_42 : memref<624x128xf32, #tpu.memory_space<vmem_shared>>) dst(%dma_wait3A_40 : memref<624x128xf32, #tpu.memory_space<hbm>>)
      tpu.yield
    }) : () -> ()
    %eq3A_28 = arith.constant 15 : i32
    %eq3A_29 = arith.cmpi eq, %arg1, %eq3A_28 : i32
    %convert_element_type3A_30 = arith.extui %eq3A_29 : i1 to i32
    %cond3A_31 = arith.constant 0 : i32
    %cond3A_32 = arith.cmpi ne, %convert_element_type3A_30, %cond3A_31 : i32
    scf.if %cond3A_32 {
      "tpu.region"() ({
        %run_scoped3A = tpu.sem_alloc : memref<!tpu.dma_semaphore, #tpu.memory_space<semaphore_mem>>
        %dma_start3A_33 = arith.constant 9984 : i32
        %dma_start3A_34 = arith.constant 0 : i32
        %dma_start3A_35 = tpu.memref_slice %arg7[%arg0, %dma_start3A_33, %dma_start3A_34] : memref<2x10000x128xf32, #tpu.memory_space<hbm>> -> memref<1x16x128xf32, #tpu.memory_space<hbm>>
        %dma_start3A_36 = tpu.memref_squeeze %dma_start3A_35 : memref<1x16x128xf32, #tpu.memory_space<hbm>> -> memref<16x128xf32, #tpu.memory_space<hbm>>
        %dma_start3A_37 = arith.constant 9984 : i32
        %dma_start3A_38 = arith.constant 0 : i32
        %dma_start3A_39 = tpu.memref_slice %arg12[%dma_start3A_37, %dma_start3A_38] : memref<10000x128xf32, #tpu.memory_space<vmem_shared>> -> memref<16x128xf32, #tpu.memory_space<vmem_shared>>
        tpu.enqueue_dma source(%dma_start3A_39 : memref<16x128xf32, #tpu.memory_space<vmem_shared>>) target(%dma_start3A_36 : memref<16x128xf32, #tpu.memory_space<hbm>>) target_semaphore(%run_scoped3A : memref<!tpu.dma_semaphore, #tpu.memory_space<semaphore_mem>>)
        %dma_wait3A_40 = arith.constant 9984 : i32
        %dma_wait3A_41 = arith.constant 0 : i32
        %dma_wait3A_42 = tpu.memref_slice %arg7[%arg0, %dma_wait3A_40, %dma_wait3A_41] : memref<2x10000x128xf32, #tpu.memory_space<hbm>> -> memref<1x16x128xf32, #tpu.memory_space<hbm>>
        %dma_wait3A_43 = tpu.memref_squeeze %dma_wait3A_42 : memref<1x16x128xf32, #tpu.memory_space<hbm>> -> memref<16x128xf32, #tpu.memory_space<hbm>>
        %dma_wait3A_44 = arith.constant 9984 : i32
        %dma_wait3A_45 = arith.constant 0 : i32
        %dma_wait3A_46 = tpu.memref_slice %arg12[%dma_wait3A_44, %dma_wait3A_45] : memref<10000x128xf32, #tpu.memory_space<vmem_shared>> -> memref<16x128xf32, #tpu.memory_space<vmem_shared>>
        tpu.wait_dma2 semaphore(%run_scoped3A : memref<!tpu.dma_semaphore, #tpu.memory_space<semaphore_mem>>) src(%dma_wait3A_46 : memref<16x128xf32, #tpu.memory_space<vmem_shared>>) dst(%dma_wait3A_43 : memref<16x128xf32, #tpu.memory_space<hbm>>)
        tpu.yield
      }) : () -> ()
    } else {
    }
    return
  }
}

module attributes {stable_mosaic.version = 14 : i64} {
  func.func @_fused_body(%arg0: i32, %arg1: memref<1000x128xf32, #tpu.memory_space<vmem>>, %arg2: memref<1000x128xf32, #tpu.memory_space<vmem>>, %arg3: memref<1000x128xf32, #tpu.memory_space<vmem>>, %arg4: memref<128x128xf32, #tpu.memory_space<vmem>>, %arg5: memref<1x128xf32, #tpu.memory_space<vmem>>, %arg6: memref<128x128xf32, #tpu.memory_space<vmem>>, %arg7: memref<1000x128xf32, #tpu.memory_space<vmem>>) attributes {dimension_semantics = [#tpu.dimension_semantics<arbitrary>], iteration_bounds = array<i64: 10>, scalar_prefetch = 0 : i64, scratch_operands = 0 : i64, tpu.core_type = #tpu.core_type<tc>, window_params = [{transform_indices = @transform_0, window_bounds = array<i64: 1000, 128>}, {transform_indices = @transform_1, window_bounds = array<i64: 1000, 128>}, {transform_indices = @transform_2, window_bounds = array<i64: 1000, 128>}, {pipeline_mode = #tpu.pipeline_mode<synchronous>, transform_indices = @transform_3, window_bounds = array<i64: 128, 128>}, {pipeline_mode = #tpu.pipeline_mode<synchronous>, transform_indices = @transform_4, window_bounds = array<i64: 1, 128>}, {pipeline_mode = #tpu.pipeline_mode<synchronous>, transform_indices = @transform_5, window_bounds = array<i64: 128, 128>}, {transform_indices = @transform_6, window_bounds = array<i64: 1000, 128>}]} {
    %get3A = arith.constant 0 : index
    %get3A_0 = arith.constant 0 : index
    %get3A_1 = vector.load %arg2[%get3A, %get3A_0] : memref<1000x128xf32, #tpu.memory_space<vmem>>, vector<1000x1xf32>
    %max3A = arith.constant 1.000000e+00 : f32
    %max3A_2 = vector.broadcast %max3A : f32 to vector<1000x1xf32>
    %max3A_3 = arith.maximumf %get3A_1, %max3A_2 : vector<1000x1xf32>
    %div3A = arith.constant 1.000000e+00 : f32
    %div3A_4 = vector.broadcast %div3A : f32 to vector<1000x1xf32>
    %div3A_5 = arith.divf %div3A_4, %max3A_3 : vector<1000x1xf32>
    %get3A_6 = arith.constant 0 : index
    %get3A_7 = arith.constant 0 : index
    %get3A_8 = vector.load %arg1[%get3A_6, %get3A_7] : memref<1000x128xf32, #tpu.memory_space<vmem>>, vector<1000x128xf32>
    %mul3A = vector.broadcast %div3A_5 : vector<1000x1xf32> to vector<1000x128xf32>
    %mul3A_9 = arith.mulf %get3A_8, %mul3A : vector<1000x128xf32>
    %get3A_10 = arith.constant 0 : index
    %get3A_11 = arith.constant 0 : index
    %get3A_12 = vector.load %arg4[%get3A_10, %get3A_11] : memref<128x128xf32, #tpu.memory_space<vmem>>, vector<128x128xf32>
    %dot_general3A = arith.constant dense<0.000000e+00> : vector<1000x128xf32>
    %dot_general3A_13 = tpu.matmul %mul3A_9, %get3A_12, %dot_general3A {dimension_numbers = #tpu.dot_dimension_numbers<[1], [0], [0], [1], [0, 0, 1, 1], [], []>, transpose_lhs_hint = false} : vector<1000x128xf32>, vector<128x128xf32>, vector<1000x128xf32> -> vector<1000x128xf32>
    %get3A_14 = arith.constant 0 : index
    %get3A_15 = arith.constant 0 : index
    %get3A_16 = vector.load %arg3[%get3A_14, %get3A_15] : memref<1000x128xf32, #tpu.memory_space<vmem>>, vector<1000x128xf32>
    %get3A_17 = arith.constant 0 : index
    %get3A_18 = arith.constant 0 : index
    %get3A_19 = vector.load %arg6[%get3A_17, %get3A_18] : memref<128x128xf32, #tpu.memory_space<vmem>>, vector<128x128xf32>
    %dot_general3A_20 = arith.constant dense<0.000000e+00> : vector<1000x128xf32>
    %dot_general3A_21 = tpu.matmul %get3A_16, %get3A_19, %dot_general3A_20 {dimension_numbers = #tpu.dot_dimension_numbers<[1], [0], [0], [1], [0, 0, 1, 1], [], []>, transpose_lhs_hint = false} : vector<1000x128xf32>, vector<128x128xf32>, vector<1000x128xf32> -> vector<1000x128xf32>
    %add3A = arith.addf %dot_general3A_13, %dot_general3A_21 : vector<1000x128xf32>
    %get3A_22 = arith.constant 0 : index
    %get3A_23 = arith.constant 0 : index
    %get3A_24 = vector.load %arg5[%get3A_22, %get3A_23] : memref<1x128xf32, #tpu.memory_space<vmem>>, vector<1x128xf32>
    %add3A_25 = vector.broadcast %get3A_24 : vector<1x128xf32> to vector<1000x128xf32>
    %add3A_26 = arith.addf %add3A, %add3A_25 : vector<1000x128xf32>
    %max3A_27 = arith.constant 0.000000e+00 : f32
    %max3A_28 = vector.broadcast %max3A_27 : f32 to vector<1000x128xf32>
    %max3A_29 = arith.maximumf %add3A_26, %max3A_28 : vector<1000x128xf32>
    %swap3A = arith.constant 0 : index
    %swap3A_30 = arith.constant 0 : index
    %swap3A_31 = vector.load %arg7[%swap3A, %swap3A_30] : memref<1000x128xf32, #tpu.memory_space<vmem>>, vector<1000x128xf32>
    tpu.vector_store %arg7[%swap3A, %swap3A_30], %max3A_29 {strides = array<i32>} : memref<1000x128xf32, #tpu.memory_space<vmem>>, vector<1000x128xf32>,
    return
  }
  func.func @transform_0(%arg0: i32) -> (i32, i32) {
    %c0_i32 = arith.constant 0 : i32
    %c0_i32_0 = arith.constant 0 : i32
    return %arg0, %c0_i32 : i32, i32
  }
  func.func @transform_1(%arg0: i32) -> (i32, i32) {
    %c0_i32 = arith.constant 0 : i32
    %c0_i32_0 = arith.constant 0 : i32
    return %arg0, %c0_i32 : i32, i32
  }
  func.func @transform_2(%arg0: i32) -> (i32, i32) {
    %c0_i32 = arith.constant 0 : i32
    %c0_i32_0 = arith.constant 0 : i32
    return %arg0, %c0_i32 : i32, i32
  }
  func.func @transform_3(%arg0: i32) -> (i32, i32) {
    %c0_i32 = arith.constant 0 : i32
    %c0_i32_0 = arith.constant 0 : i32
    %c0_i32_1 = arith.constant 0 : i32
    return %c0_i32, %c0_i32_0 : i32, i32
  }
  func.func @transform_4(%arg0: i32) -> (i32, i32) {
    %c0_i32 = arith.constant 0 : i32
    %c0_i32_0 = arith.constant 0 : i32
    %c0_i32_1 = arith.constant 0 : i32
    return %c0_i32, %c0_i32_0 : i32, i32
  }
  func.func @transform_5(%arg0: i32) -> (i32, i32) {
    %c0_i32 = arith.constant 0 : i32
    %c0_i32_0 = arith.constant 0 : i32
    %c0_i32_1 = arith.constant 0 : i32
    return %c0_i32, %c0_i32_0 : i32, i32
  }
  func.func @transform_6(%arg0: i32) -> (i32, i32) {
    %c0_i32 = arith.constant 0 : i32
    %c0_i32_0 = arith.constant 0 : i32
    return %arg0, %c0_i32 : i32, i32
  }
}

module attributes {stable_mosaic.version = 14 : i64} {
  func.func @_fused_body(%arg0: i32, %arg1: memref<1000x128xf32, #tpu.memory_space<vmem>>, %arg2: memref<1000x128xf32, #tpu.memory_space<vmem>>, %arg3: memref<1000x128xf32, #tpu.memory_space<vmem>>, %arg4: memref<128x128xf32, #tpu.memory_space<vmem>>, %arg5: memref<1x128xf32, #tpu.memory_space<vmem>>, %arg6: memref<128x128xf32, #tpu.memory_space<vmem>>, %arg7: memref<1000x128xf32, #tpu.memory_space<vmem>>) attributes {dimension_semantics = [#tpu.dimension_semantics<arbitrary>], iteration_bounds = array<i64: 10>, scalar_prefetch = 0 : i64, scratch_operands = 0 : i64, tpu.core_type = #tpu.core_type<tc>, window_params = [{transform_indices = @transform_0, window_bounds = array<i64: 1000, 128>}, {transform_indices = @transform_1, window_bounds = array<i64: 1000, 128>}, {transform_indices = @transform_2, window_bounds = array<i64: 1000, 128>}, {pipeline_mode = #tpu.pipeline_mode<synchronous>, transform_indices = @transform_3, window_bounds = array<i64: 128, 128>}, {pipeline_mode = #tpu.pipeline_mode<synchronous>, transform_indices = @transform_4, window_bounds = array<i64: 1, 128>}, {pipeline_mode = #tpu.pipeline_mode<synchronous>, transform_indices = @transform_5, window_bounds = array<i64: 128, 128>}, {transform_indices = @transform_6, window_bounds = array<i64: 1000, 128>}]} {
    %get3A = arith.constant 0 : index
    %get3A_0 = arith.constant 0 : index
    %get3A_1 = vector.load %arg2[%get3A, %get3A_0] : memref<1000x128xf32, #tpu.memory_space<vmem>>, vector<1000x1xf32>
    %max3A = arith.constant 1.000000e+00 : f32
    %max3A_2 = vector.broadcast %max3A : f32 to vector<1000x1xf32>
    %max3A_3 = arith.maximumf %get3A_1, %max3A_2 : vector<1000x1xf32>
    %div3A = arith.constant 1.000000e+00 : f32
    %div3A_4 = vector.broadcast %div3A : f32 to vector<1000x1xf32>
    %div3A_5 = arith.divf %div3A_4, %max3A_3 : vector<1000x1xf32>
    %get3A_6 = arith.constant 0 : index
    %get3A_7 = arith.constant 0 : index
    %get3A_8 = vector.load %arg1[%get3A_6, %get3A_7] : memref<1000x128xf32, #tpu.memory_space<vmem>>, vector<1000x128xf32>
    %mul3A = vector.broadcast %div3A_5 : vector<1000x1xf32> to vector<1000x128xf32>
    %mul3A_9 = arith.mulf %get3A_8, %mul3A : vector<1000x128xf32>
    %get3A_10 = arith.constant 0 : index
    %get3A_11 = arith.constant 0 : index
    %get3A_12 = vector.load %arg4[%get3A_10, %get3A_11] : memref<128x128xf32, #tpu.memory_space<vmem>>, vector<128x128xf32>
    %dot_general3A = arith.constant dense<0.000000e+00> : vector<1000x128xf32>
    %dot_general3A_13 = tpu.matmul %mul3A_9, %get3A_12, %dot_general3A {dimension_numbers = #tpu.dot_dimension_numbers<[1], [0], [0], [1], [0, 0, 1, 1], [], []>, transpose_lhs_hint = false} : vector<1000x128xf32>, vector<128x128xf32>, vector<1000x128xf32> -> vector<1000x128xf32>
    %get3A_14 = arith.constant 0 : index
    %get3A_15 = arith.constant 0 : index
    %get3A_16 = vector.load %arg3[%get3A_14, %get3A_15] : memref<1000x128xf32, #tpu.memory_space<vmem>>, vector<1000x128xf32>
    %get3A_17 = arith.constant 0 : index
    %get3A_18 = arith.constant 0 : index
    %get3A_19 = vector.load %arg6[%get3A_17, %get3A_18] : memref<128x128xf32, #tpu.memory_space<vmem>>, vector<128x128xf32>
    %dot_general3A_20 = arith.constant dense<0.000000e+00> : vector<1000x128xf32>
    %dot_general3A_21 = tpu.matmul %get3A_16, %get3A_19, %dot_general3A_20 {dimension_numbers = #tpu.dot_dimension_numbers<[1], [0], [0], [1], [0, 0, 1, 1], [], []>, transpose_lhs_hint = false} : vector<1000x128xf32>, vector<128x128xf32>, vector<1000x128xf32> -> vector<1000x128xf32>
    %add3A = arith.addf %dot_general3A_13, %dot_general3A_21 : vector<1000x128xf32>
    %get3A_22 = arith.constant 0 : index
    %get3A_23 = arith.constant 0 : index
    %get3A_24 = vector.load %arg5[%get3A_22, %get3A_23] : memref<1x128xf32, #tpu.memory_space<vmem>>, vector<1x128xf32>
    %add3A_25 = vector.broadcast %get3A_24 : vector<1x128xf32> to vector<1000x128xf32>
    %add3A_26 = arith.addf %add3A, %add3A_25 : vector<1000x128xf32>
    %swap3A = arith.constant 0 : index
    %swap3A_27 = arith.constant 0 : index
    %swap3A_28 = vector.load %arg7[%swap3A, %swap3A_27] : memref<1000x128xf32, #tpu.memory_space<vmem>>, vector<1000x128xf32>
    tpu.vector_store %arg7[%swap3A, %swap3A_27], %add3A_26 {strides = array<i32>} : memref<1000x128xf32, #tpu.memory_space<vmem>>, vector<1000x128xf32>,
    return
  }
  func.func @transform_0(%arg0: i32) -> (i32, i32) {
    %c0_i32 = arith.constant 0 : i32
    %c0_i32_0 = arith.constant 0 : i32
    return %arg0, %c0_i32 : i32, i32
  }
  func.func @transform_1(%arg0: i32) -> (i32, i32) {
    %c0_i32 = arith.constant 0 : i32
    %c0_i32_0 = arith.constant 0 : i32
    return %arg0, %c0_i32 : i32, i32
  }
  func.func @transform_2(%arg0: i32) -> (i32, i32) {
    %c0_i32 = arith.constant 0 : i32
    %c0_i32_0 = arith.constant 0 : i32
    return %arg0, %c0_i32 : i32, i32
  }
  func.func @transform_3(%arg0: i32) -> (i32, i32) {
    %c0_i32 = arith.constant 0 : i32
    %c0_i32_0 = arith.constant 0 : i32
    %c0_i32_1 = arith.constant 0 : i32
    return %c0_i32, %c0_i32_0 : i32, i32
  }
  func.func @transform_4(%arg0: i32) -> (i32, i32) {
    %c0_i32 = arith.constant 0 : i32
    %c0_i32_0 = arith.constant 0 : i32
    %c0_i32_1 = arith.constant 0 : i32
    return %c0_i32, %c0_i32_0 : i32, i32
  }
  func.func @transform_5(%arg0: i32) -> (i32, i32) {
    %c0_i32 = arith.constant 0 : i32
    %c0_i32_0 = arith.constant 0 : i32
    %c0_i32_1 = arith.constant 0 : i32
    return %c0_i32, %c0_i32_0 : i32, i32
  }
  func.func @transform_6(%arg0: i32) -> (i32, i32) {
    %c0_i32 = arith.constant 0 : i32
    %c0_i32_0 = arith.constant 0 : i32
    return %arg0, %c0_i32 : i32, i32
  }
}

</mosaic_0001>

<sc_bundles>
// kernel: kernel.11.cloned.1.call-start
scs
__scs_entry_jumppad:
0x0: {  	(pc) =	sbr.rel $0x88, $3  }
0x1: {  	(tag) =	ssettag $0x0;
	lr =	simm.s32 $0x1  }
0x2: {  	[smem:$0x3F91] =	sst lr;
	_ =	strace $0xD0000000  }
0x3: {  	_ = 	snop  }
0x4: {  	_ = 	snop  }
0x5: {  	_ = 	snop  }
0x6: {  	_ = 	snop  }
0x7: {  	_ = 	snop  }
__scs_overlays_trampoline_lowered:
0x8: {  	[smem:$0x3FA0] =	sst s0  }
0x9: {  	[smem:$0x3FA1] =	sst s1  }
0xa: {  	[smem:$0x3FA2] =	sst s2  }
0xb: {  	[smem:$0x3FA3] =	sst s3  }
0xc: {  	[smem:$0x3FA4] =	sst s4  }
0xd: {  	[smem:$0x3FA5] =	sst s5  }
0xe: {  	[smem:$0x3FA6] =	sst s6  }
0xf: {  	[smem:$0x3FA7] =	sst s7  }
0x10: {  	[smem:$0x3FA8] =	sst s8  }
0x11: {  	[smem:$0x3FA9] =	sst s9;
	s0 =	simm.s32 @!p0 $0x0  }
0x12: {  	s1 =	sld [smem:$0x3F8F];
	s0 =	simm.s32 @p0 $0x1  }
0x13: {  	[smem:$0x3FAA] =	sst s0;
	s0 =	simm.s32 @!p1 $0x0  }
0x14: {  	s2 =	sld [smem:$0x3F8E];
	s0 =	simm.s32 @p1 $0x1  }
0x15: {  	[smem:$0x3FAB] =	sst s0;
	s0 =	simm.s32 @!p2 $0x0  }
0x16: {  	s3 =	sld [smem:$0x3FDB];
	s0 =	simm.s32 @p2 $0x1  }
0x17: {  	s4 =	simm.s32 $0x1BF5;
	[smem:$0x3FAD] =	sst s0  }
0x18: {  	s0 =	sld [smem:$0x3F90];
	_ =	swait.ge [sflag:s4], $0x0  }
0x19: {  	s7 =	sld [smem:$0x3F91]  }
0x1a: {  	s8 =	sadd.s32 $0xFFFFE003, lr  }
0x1b: {  	s9 =	sadd.s32 $0xFFFFFEF7, lr;
	s5 =	simm.s32 $0xFFFFFFFF;
	p2 =	slt.u32 s8, $0xFFFFF086  }
0x1c: {  	p1 =	slt.u32 s9, $0xF7A;
	s5 =	simm.s32 @!p2 $0x0  }
0x1d: {  	s5 =	simm.s32 @p1 $0x1;
	p0 =	seq.s32 s7, s2  }
0x1e: {  	s7 =	smul.u32 @!p0 $0xF7A, s2;
	p2 =	seq.s32 @!p0 s5, $0x0  }
0x1f: {  	s9 =	smul.u32 $0xF7A, s1;
	s8 =	simm.s32 @!p0 $0x1BF5;
	p2 =	por !p2, p0  }
0x20: {  	[sflag:s8] =	ssyncset.s32 @!p0 $0xFFFFF086;
	s6 =	sadd.s32 @!p0 s3, s7;
	s7 =	simm.s32 @!p0 $0x108  }
0x21: {  	s3 =	sadd.s32 s3, s9;
	s6 =	sadd.s32 @!p0 $0x88, s6;
	s7 =	simm.s32 @p2 $0x1082  }
0x22: {  	[simem:s7], [sflag:s8] =	dma.local @!p0 [hbm:s6], $0xF7A  }
0x23: {  	s9 =	sor.u32 $0xD0000000, s2;
	s6 =	simm.s32 $0x108;
	_ =	swait.ge @!p0 [sflag:s8], $0x0  }
0x24: {  	s3 =	sadd.s32 $0x88, s3;
	s6 =	simm.s32 @!p1 $0x1082;
	[sflag:s4] =	ssyncset.s32 $0xFFFFF086  }
0x25: {  	[simem:s6], [sflag:s4] =	dma.local [hbm:s3], $0xF7A  }
0x26: {  	[smem:$0x3F91] =	sst s1;
	(tag) =	ssettag s2;
	_ =	strace s9  }
0x27: {  	s1 =	sld [smem:$0x3FA1]  }
0x28: {  	s2 =	sld [smem:$0x3FA2]  }
0x29: {  	s4 =	sld [smem:$0x3FA4]  }
0x2a: {  	p0 =	seq.s32 s5, $0x0;
	s5 =	sld [smem:$0x3FA5]  }
0x2b: {  	s6 =	sld [smem:$0x3FA6]  }
0x2c: {  	s7 =	sld [smem:$0x3FA7]  }
0x2d: {  	s3 =	simm.s32 $0x108;
	s8 =	sld [smem:$0x3FA8]  }
0x2e: {  	s3 =	simm.s32 @!p0 $0x1082;
	s9 =	sld [smem:$0x3FA9]  }
0x2f: {  	lr =	sadd.s32 s0, s3;
	s0 =	sld [smem:$0x3FA0]  }
0x30: {  	s3 =	sld [smem:$0x3FA3]  }
0x31: {  	[smem:$0x3FAC] =	sst s10  }
0x32: {  	s10 =	sld [smem:$0x3FAA];
	_ =	sdelay $0x3  }
0x33: {  	p0 =	seq.s32 s10, $0x1;
	s10 =	sld [smem:$0x3FAC];
	_ =	sdelay $0x3  }
0x34: {  	[smem:$0x3FAC] =	sst s10  }
0x35: {  	s10 =	sld [smem:$0x3FAB];
	_ =	sdelay $0x3  }
0x36: {  	p1 =	seq.s32 s10, $0x1;
	s10 =	sld [smem:$0x3FAC];
	_ =	sdelay $0x3  }
0x37: {  	[smem:$0x3FAC] =	sst s10  }
0x38: {  	s10 =	sld [smem:$0x3FAD]  }
0x39: {  	_ = 	snop;
	(pc) =	sbr.ind lr, $3  }
0x3a: {  	_ = 	snop  }
0x3b: {  	_ = 	snop  }
0x3c: {  	p2 =	seq.s32 s10, $0x1;
	s10 =	sld [smem:$0x3FAC]  }
0x3d: {  	_ =	shalt  }
0x3e: {  	_ =	shalt  }
0x3f: {  	_ =	shalt  }
0x40: {  	_ =	shalt  }
0x41: {  	_ =	shalt  }
0x42: {  	_ =	shalt  }
0x43: {  	_ =	shalt  }
0x44: {  	_ =	shalt  }
0x45: {  	_ =	shalt  }
0x46: {  	_ =	shalt  }
0x47: {  	_ =	shalt  }
0x48: {  	_ =	shalt  }
0x49: {  	_ =	shalt  }
0x4a: {  	_ =	shalt  }
0x4b: {  	_ =	shalt  }
0x4c: {  	_ =	shalt  }
0x4d: {  	_ =	shalt  }
0x4e: {  	_ =	shalt  }
0x4f: {  	_ =	shalt  }
0x50: {  	_ =	shalt  }
0x51: {  	_ =	shalt  }
0x52: {  	_ =	shalt  }
0x53: {  	_ =	shalt  }
0x54: {  	_ =	shalt  }
0x55: {  	_ =	shalt  }
0x56: {  	_ =	shalt  }
0x57: {  	_ =	shalt  }
0x58: {  	_ =	shalt  }
0x59: {  	_ =	shalt  }
0x5a: {  	_ =	shalt  }
0x5b: {  	_ =	shalt  }
0x5c: {  	_ =	shalt  }
0x5d: {  	_ =	shalt  }
0x5e: {  	_ =	shalt  }
0x5f: {  	_ =	shalt  }
0x60: {  	_ =	shalt  }
0x61: {  	_ =	shalt  }
0x62: {  	_ =	shalt  }
0x63: {  	_ =	shalt  }
0x64: {  	_ =	shalt  }
0x65: {  	_ =	shalt  }
0x66: {  	_ =	shalt  }
0x67: {  	_ =	shalt  }
0x68: {  	_ =	shalt  }
0x69: {  	_ =	shalt  }
0x6a: {  	_ =	shalt  }
0x6b: {  	_ =	shalt  }
0x6c: {  	_ =	shalt  }
0x6d: {  	_ =	shalt  }
0x6e: {  	_ =	shalt  }
0x6f: {  	_ =	shalt  }
0x70: {  	_ =	shalt  }
0x71: {  	_ =	shalt  }
0x72: {  	_ =	shalt  }
0x73: {  	_ =	shalt  }
0x74: {  	_ =	shalt  }
0x75: {  	_ =	shalt  }
0x76: {  	_ =	shalt  }
0x77: {  	_ =	shalt  }
0x78: {  	_ =	shalt  }
0x79: {  	_ =	shalt  }
0x7a: {  	_ =	shalt  }
0x7b: {  	_ =	shalt  }
0x7c: {  	_ =	shalt  }
0x7d: {  	_ =	shalt  }
0x7e: {  	_ =	shalt  }
0x7f: {  	_ =	shalt  }
0x80: {  	_ =	shalt  }
0x81: {  	_ =	shalt  }
0x82: {  	_ =	shalt  }
0x83: {  	_ =	shalt  }
0x84: {  	_ =	shalt  }
0x85: {  	_ =	shalt  }
0x86: {  	_ =	shalt  }
0x87: {  	_ =	shalt  }
.Lfunc_end0:
.L_simem_size_0:
called_computation.1_lowered:
.L_overlay_start_0:
0x88: {  	s2 =	sld [smem:$0x3FD9]  }
0x89: {  	s3 =	sld [smem:$0x3FFE];
	_ =	sdelay $0x1  }
0x8a: {  	s1 =	srdreg.scid  }
0x8b: {  	s0 =	sand.u32 $0x1, s1  }
0x8c: {  	s14 =	sshll.u32 s0, $0xA;
	s2 =	sadd.s32 s3, s2  }
0x8d: {  	s2 =	sadd.s32 s2, s14  }
0x8e: {  	[smem:$0x3FB8] =	sst s2  }
0x8f: {  	_ = 	snop  }
0x90: {  	s2 =	sld [smem:$0x3FD0];
	_ =	sdelay $0x2  }
0x91: {  	s15 =	simm.s32 $0xA;
	s4 =	simm.s32 $0x10  }
0x92: {  	[smem:s4], [sflag:s15] =	dma.local [hbm:s2], $0x1  }
0x93: {  	_ =	swait.eq [sflag:s15], $0x1  }
0x94: {  	[sflag:s15] =	ssyncset.done $0x0  }
0x95: {  	[sflag:s15] =	ssyncadd.s32 $0xFFFFFFFF  }
0x96: {  	s16 =	sld [smem:$0x11];
	(tm) =	ssettm $0x1  }
0x97: {  	s17 =	sld [smem:$0x3FFB];
	_ =	sdelay $0x3  }
0x98: {  	_ =	strace s17  }
0x99: {  	s3 =	sld [smem:$0x3FFC];
	_ =	sdelay $0x3  }
0x9a: {  	_ =	strace s3  }
0x9b: {  	s3 =	sld [smem:$0x3FFD];
	_ =	sdelay $0x3  }
0x9c: {  	_ =	strace s3  }
0x9d: {  	_ =	strace $0x8FFFFFFF  }
0x9e: {  	s18 =	sld [smem:$0x3FDB];
	_ =	sdelay $0x1  }
0x9f: {  	s19 =	simm.s32 $_scs_section_size  }
0xa0: {  	s5 =	simm.s32 $_size__tile_overlayer_lowered;
	s6 =	simm.s32 $_tile_overlayer_lowered  }
0xa1: {  	s22 =	simm.s32 $0x1BFF;
	s21 =	sshll.u32 s6, $0x1;
	s3 =	sadd.s32 s19, s18  }
0xa2: {  	s7 =	simm.s32 $0x0;
	s20 =	sshll.u32 s5, $0x1;
	s5 =	sadd.s32 s21, s3  }
0xa3: {  	[timem:s7], [sflag:s22] =	dma.local [hbm:s5], s20  }
0xa4: {  	_ =	swait.ge [sflag:s22], s20  }
0xa5: {  	s4 =	ssub.s32 $0x0, s20;
	[sflag:s22] =	ssyncset.done $0x0  }
0xa6: {  	[sflag:s22] =	ssyncadd.s32 s4;
	_ =	sdelay $0x1  }
0xa7: {  	s23 =	simm.s32 $0x1B8B  }
0xa8: {  	_ =	swait.ge [sflag:s23], $0x1  }
0xa9: {  	[sflag:s23] =	ssyncset.done $0x0  }
0xaa: {  	s25 =	simm.s32 $0x1B8E;
	s24 =	sld [smem:$0x3FFE];
	[sflag:s23] =	ssyncadd.s32 $0xFFFFFFFF  }
0xab: {  	s26 =	simm.s32 $execute0_lowered;
	[smem:$0x3FD2] =	sst s25  }
0xac: {  	s5 =	sshll.u32 s26, $0x1;
	_ =	strace $0x80000049;
	[dreg:$0x1] =	wrdreg $0xFFFFFFFF  }
0xad: {  	s28 =	simm.s32 $_size_execute0_lowered;
	s3 =	sadd.s32 s3, s5;
	[dreg:$0x0] =	wrdreg $0x0  }
0xae: {  	s5 =	sshll.u32 s28, $0x1;
	[dreg:$0x2] =	wrdreg s3  }
0xaf: {  	[dreg:$0x3] =	wrdreg s5  }
0xb0: {  	[dreg:$0x4] =	wrdreg $0xC0  }
0xb1: {  	_ =	task [dreg:s7], $0x5FFFF  }
0xb2: {  	[dreg:$0x1] =	wrdreg $0xFFFFFFFF  }
0xb3: {  	[dreg:$0x0] =	wrdreg $0x60  }
0xb4: {  	[dreg:$0x2] =	wrdreg s24  }
0xb5: {  	[dreg:$0x3] =	wrdreg s16  }
0xb6: {  	[dreg:$0x4] =	wrdreg $0xB7800  }
0xb7: {  	[dreg:$0x5] =	wrdreg $0x9  }
0xb8: {  	_ =	task.clear_ibuf [dreg:s7], $0x6FFFF;
	_ =	strace $0x90000049  }
0xb9: {  	s29 =	simm.s32 $0x9;
	_ =	strace $0x8000004B  }
0xba: {  	_ =	swait.ge [sflag:s29], $0x1  }
0xbb: {  	[sflag:s29] =	ssyncadd.s32 $0xFFFFFFFF  }
0xbc: {  	_ =	strace $0x9000004B  }
0xbd: {  	_ =	sfence  }
0xbe: {  	s30 =	sld [smem:$0x0];
	_ =	sdelay $0x2  }
0xbf: {  	s31 =	sshll.u32 s1, $0xD;
	s1 =	sshrl.u32 s1, $0x2  }
0xc0: {  	s3 =	sand.u32 $0x4000, s31;
	s1 =	sadd.s32 s1, s30  }
0xc1: {  	s0 =	sor.u32 s3, s0;
	s1 =	sshll.u32 s1, $0x11  }
0xc2: {  	s0 =	sor.u32 s1, s0  }
0xc3: {  	s0 =	sadd.s32 $0x8F2B, s0  }
0xc4: {  	[sflag:s0] =	ssyncadd.remote.s32 $0x1  }
0xc5: {  	_ =	sfence.sel $0xFFFF  }
0xc6: {  	[dreg:$0x0] =	wrdreg $0xFFFFFFFF;
	(pc) =	sbr.abs _section_cstart, $3  }
0xc7: {  	[dreg:$0x1] =	wrdreg $0xFFFFFFFF  }
0xc8: {  	_ =	task.clear_ibuf [dreg:s7], $0x2FFFF;
	_ =	strace $0x9FFFFFFF  }
0xc9: {  	(tm) =	ssettm $0x7FFFFFFF  }
tec
execute0_lowered:
.L_overlay_start_1:
0x0: {  	(tag) =	ssettag $0x1  }
0x1: {  	s5 =	rddreg [dreg:$0x0]  }
0x2: {  	s8 =	rddreg [dreg:$0x1];
	s0 =	srdreg.scid  }
0x3: {  	s2 =	rddreg [dreg:$0x2];
	s1 =	stileid.u32  }
0x4: {  	s3 =	simm.s32 $0x0;
	s17 =	simm.s32 $0x6780;
	s18 =	simm.s32 $0x3  }
0x5: {  	s19 =	simm.s32 $0x50;
	s6 =	sand.u32 $0x1, s0;
	s0 =	rddreg [dreg:$0x3]  }
0x6: {  	s20 =	simm.s32 $0x2;
	s7 =	smul.u32 $0x2710, s1;
	[smem:$0x7FF] =	sst s3  }
0x7: {  	s9 =	sshll.u32 s1, $0xB;
	s11 =	sadd.s32 $0x6B200, s5;
	s12 =	smul.u32 $0x4E000, s1  }
0x8: {  	s14 =	smul.u32 $0x13800, s1;
	s16 =	sadd.s32 $0x138000, s2;
	p0 =	sne.s32 s1, $0xF  }
0x9: {  	s31 =	sshll.u32 s1, $0x6;
	s4 =	smul.u32 $0x27100, s6;
	_ =	strace $0x8000004A  }
0xa: {  	s9 =	sadd.s32 s9, s5;
	s10 =	ssub.s32 $0x2, s6;
	s22 =	sshll.u32 s6, $0xF  }
0xb: {  	s24 =	smul.u32 $0x138800, s6;
	s16 =	sshrl.u32 @!p0 s16, $0x3;
	s21 =	sshrl.u32 s10, $0x1  }
0xc: {  	s23 =	sadd.s32 s22, s9;
	s25 =	sshrl.u32 s12, $0x2;
	s26 =	sshrl.u32 s14, $0x3  }
0xd: {  	s12 =	simm.s32 $0x5;
	s22 =	simm.s32 $0x1;
	s7 =	sadd.s32 s7, s4  }
0xe: {  	s4 =	sadd.s32 $0x1CA00, s5;
	s13 =	ssub.s32 s10, s21;
	s6 =	sadd.s32 $0x2C00, s23  }
0xf: {  	s15 =	sadd.s32 s25, s2;
	s28 =	sadd.s32 s14, s24;
	s29 =	sshrl.u32 s24, $0x3  }
0x10: {  	s14 =	sor.u32 $0x1C05, s31;
	s21 =	simm.s32 $0x8F80;
	s23 =	simm.s32 $0x6580  }
.Ltmp0:
0x11: {  	s24 =	simm.s32 $0x4;
	s25 =	simm.s32 $0x0;
	(pc) =	sbr.rel .LBB2_1-.Ltmp0, $4  }
0x12: {  	s7 =	sshrl.u32 s7, $0x3;
	s10 =	sshrl.u32 s28, $0x3;
	s30 =	sadd.s32 s11, s29  }
0x13: {  	s15 =	sshrl.u32 s15, $0x3;
	s7 =	sadd.s32 s7, s5;
	s9 =	sadd.s32 s11, s10  }
0x14: {  	s10 =	sadd.s32 $0x27000, s30;
	s11 =	smax.u32 s13, $0x1;
	s13 =	simm.s32 $0x2780  }
0x15: {  	s5 =	sadd.s32 $0x12C00, s7;
	s7 =	sadd.s32 s8, s26;
	s8 =	sadd.s32 $0x27000, s8  }
.LBB2_10:
0x16: {  	_ =	swait.ge [sflag:s22], $0x2800  }
0x17: {  	[sflag:s22] =	ssyncset.done $0x0  }
0x18: {  	[sflag:s22] =	ssyncadd.s32 $0xFFFFD800  }
0x19: {  	[spmem:s2] =	stream.indirect.scatter.add.f32 [tilespmem:s17], [sflag:$0x3], $0x80, s23, s19, $0xb8;
	[tilespmem:$0x1F000] =	vst v63  }
0x1a: {  	_ =	swait.ge [sflag:s18], $0x2800  }
0x1b: {  	[sflag:s18] =	ssyncset.done $0x0  }
0x1c: {  	[sflag:s18] =	ssyncadd.s32 $0xFFFFD800  }
0x1d: {  	_ =	swait.ge [sflag:s24], $0x2800  }
0x1e: {  	[sflag:s24] =	ssyncset.done $0x0  }
0x1f: {  	[sflag:s24] =	ssyncadd.s32 $0xFFFFD800  }
0x20: {  	[bflag:$0x0] =	sbarrier.arrive $0xFFFF  }
0x21: {  	[hbm:s9], [sflag:s14] =	dma.local [spmem:s15], $0x2700  }
0x22: {  	s25 =	sadd.s32 $0x1, s25;
	_ =	swait.ge [sflag:s12], $0x2700  }
0x23: {  	p1 =	sne.s32 s25, s11;
	[sflag:s12] =	ssyncset.done $0x0  }
.Ltmp1:
0x24: {  	s26 =	simm.s32 @!p0 $0x5;
	[sflag:s12] =	ssyncadd.s32 $0xFFFFD900;
	(pc) =	sbr.rel @!p1 .LBB2_11-.Ltmp1, $4  }
0x25: {  	[hbm:s10], [sflag:s14] =	dma.local @!p0 [spmem:s16], $0x100  }
0x26: {  	_ =	swait.ge @!p0 [sflag:s26], $0x100  }
0x27: {  	[sflag:s26] =	ssyncset.done @!p0 $0x0  }
0x28: {  	[sflag:s26] =	ssyncadd.s32 @!p0 $0xFFFFFF00  }
.LBB2_1:
0x29: {  	[tilespmem:s3], [sflag:$0x5] =	stream.linear.gather [hbm4b:s5+s3], $0x2710, $0x38;
	[tilespmem:$0x1F000] =	vst v63  }
0x2a: {  	_ =	swait.ge [sflag:s12], $0x2710  }
0x2b: {  	[sflag:s12] =	ssyncset.done $0x0  }
0x2c: {  	[sflag:s12] =	ssyncadd.s32 $0xFFFFD8F0  }
0x2d: {  	[tilespmem:s13], [sflag:$0x5] =	stream.linear.gather [hbm4b:s6+s3], $0x3E80, $0x38;
	[tilespmem:$0x1F000] =	vst v63  }
0x2e: {  	_ =	swait.ge [sflag:s12], $0x3E80  }
0x2f: {  	[sflag:s12] =	ssyncset.done $0x0  }
0x30: {  	[sflag:s12] =	ssyncadd.s32 $0xFFFFC180  }
0x31: {  	[spmem:s15], [sflag:s14] =	dma.local [hbm:s7], $0x2700  }
0x32: {  	_ =	swait.ge [sflag:s12], $0x2700  }
0x33: {  	[sflag:s12] =	ssyncset.done $0x0  }
0x34: {  	s26 =	simm.s32 @!p0 $0x5;
	[sflag:s12] =	ssyncadd.s32 $0xFFFFD900  }
0x35: {  	[spmem:s16], [sflag:s14] =	dma.local @!p0 [hbm:s8], $0x100  }
.Ltmp2:
0x36: {  	_ =	swait.ge @!p0 [sflag:s26], $0x100;
	(pc) =	sbr.rel .LBB2_2-.Ltmp2, $4  }
0x37: {  	[sflag:s26] =	ssyncset.done @!p0 $0x0  }
0x38: {  	s28 =	simm.s32 $0x2780;
	[sflag:s26] =	ssyncadd.s32 @!p0 $0xFFFFFF00  }
0x39: {  	s29 =	simm.s32 $0x0;
	s26 =	simm.s32 $0x50;
	[bflag:$0x0] =	sbarrier.arrive $0xFFFF  }
0x3a: {  	[tilespmem:s17], [sflag:$0x1] =	stream.indirect.gather [hbm4b:s4+s19], $0x80, s3, s19, $0xb8;
	[tilespmem:$0x1F000] =	vst v63  }
.LBB2_8:
0x3b: {  	_ =	swait.ge [sflag:s18], $0x2800  }
0x3c: {  	[sflag:s18] =	ssyncset.done $0x0  }
0x3d: {  	[sflag:s18] =	ssyncadd.s32 $0xFFFFD800  }
0x3e: {  	[tilespmem:s17], [sflag:$0x1] =	stream.indirect.gather [hbm4b:s4+s19], $0x80, s26, s19, $0xb8;
	[tilespmem:$0x1F000] =	vst v63  }
0x3f: {  	_ =	swait.ge [sflag:s20], $0x2800  }
0x40: {  	[sflag:s20] =	ssyncset.done $0x0  }
0x41: {  	[sflag:s20] =	ssyncadd.s32 $0xFFFFD800  }
0x42: {  	[spmem:s2] =	stream.indirect.scatter.add.f32 [tilespmem:s21], [sflag:$0x4], $0x80, s28, s19, $0xb8;
	[tilespmem:$0x1F000] =	vst v63  }
.LBB2_9:
0x43: {  	s29 =	sadd.s32 $0x1, s29  }
0x44: {  	p1 =	sne.s32 s29, $0x7C  }
.Ltmp3:
0x45: {  	_ = 	snop;
	(pc) =	sbr.rel @!p1 .LBB2_10-.Ltmp3, $2  }
0x46: {  	_ =	sdelay $0x2  }
0x47: {  	s28 =	sadd.s32 $0x80, s28;
	s26 =	sadd.s32 $0x50, s26  }
.LBB2_2:
0x48: {  	s30 =	sand.u32 $0x1, s29  }
0x49: {  	p1 =	seq.s32 s30, $0x1  }
.Ltmp4:
0x4a: {  	_ = 	snop;
	(pc) =	sbr.rel @p1 .LBB2_8-.Ltmp4, $1  }
0x4b: {  	_ =	sdelay $0x3  }
0x4c: {  	p1 =	seq.s32 s29, $0x0  }
.Ltmp5:
0x4d: {  	_ = 	snop;
	(pc) =	sbr.rel @p1 .LBB2_6-.Ltmp5, $1  }
0x4e: {  	_ =	sdelay $0x3  }
0x4f: {  	p1 =	seq.s32 s29, $0x7C  }
.Ltmp6:
0x50: {  	_ = 	snop;
	(pc) =	sbr.rel @p1 .LBB2_7-.Ltmp6, $1  }
0x51: {  	_ =	sdelay $0x3  }
0x52: {  	_ =	swait.ge [sflag:s24], $0x2800  }
0x53: {  	[sflag:s24] =	ssyncset.done $0x0  }
0x54: {  	[sflag:s24] =	ssyncadd.s32 $0xFFFFD800  }
.LBB2_6:
0x55: {  	[tilespmem:s21], [sflag:$0x2] =	stream.indirect.gather [hbm4b:s4+s19], $0x80, s26, s19, $0xb8;
	[tilespmem:$0x1F000] =	vst v63  }
.LBB2_7:
0x56: {  	p1 =	seq.s32 s30, $0x0  }
.Ltmp7:
0x57: {  	_ = 	snop;
	(pc) =	sbr.rel @p1 .LBB2_9-.Ltmp7, $4  }
.Ltmp8:
0x58: {  	_ =	swait.ge [sflag:s22], $0x2800;
	(pc) =	sbr.rel @!p1 .LBB2_8-.Ltmp8, $4  }
0x59: {  	[sflag:s22] =	ssyncset.done $0x0  }
0x5a: {  	[sflag:s22] =	ssyncadd.s32 $0xFFFFD800  }
0x5b: {  	[spmem:s2] =	stream.indirect.scatter.add.f32 [tilespmem:s17], [sflag:$0x3], $0x80, s28, s19, $0xb8;
	[tilespmem:$0x1F000] =	vst v63  }
0x5c: {  	_ = 	snop  }
.LBB2_11:
0x5d: {  	_ =	sfence.sel $0x180000  }
0x5e: {  	[bflag:$0x0] =	sbarrier.arrive $0xFFFF  }
0x5f: {  	p0 =	sne.s32 s1, $0x0;
	_ =	strace $0x9000004A  }
0x60: {  	s0 =	sadd.s32 @!p0 $0x100000, s0;
	[bflag:$0x2] =	sbarrier.arrive $0xFFFF  }
0x61: {  	[sflag:s0] =	ssyncadd.tile.s32 @!p0 $0x1;
	_ =	shalt  }
.Lfunc_end2:
_tile_overlayer_lowered:
.L_overlay_start_2:
0x62: {  	(tag) =	ssettag $0x2  }
0x63: {  	s0 =	rddreg [dreg:$0x0];
	s2 =	stileid.u32  }
0x64: {  	s1 =	rddreg [dreg:$0x1];
	p0 =	sne.s32 s2, $0x0  }
0x65: {  	s3 =	rddreg [dreg:$0x2];
	[bflag:$0x3] =	sbarrier.arrive $0xFFFF;
	s2 =	simm.s32 @!p0 $0x1C05  }
0x66: {  	[timem:s3], [sflag:s2] =	dma.local @!p0 [hbm:s0], s1  }
0x67: {  	s0 =	simm.s32 @!p0 $0x5  }
0x68: {  	_ =	swait.ge @!p0 [sflag:s0], s1  }
0x69: {  	s1 =	ssub.s32 @!p0 $0x0, s1;
	[sflag:s0] =	ssyncset.done @!p0 $0x0  }
0x6a: {  	[sflag:s0] =	ssyncadd.s32 @!p0 s1  }
0x6b: {  	[bflag:$0x3] =	sbarrier.arrive $0xFFFF  }
0x6c: {  	_ =	shalt  }

// kernel: kernel.8.cloned.1.call-start
scs
__scs_entry_jumppad:
0x0: {  	(pc) =	sbr.rel $0x88, $3  }
0x1: {  	(tag) =	ssettag $0x0;
	lr =	simm.s32 $0x1  }
0x2: {  	[smem:$0x3F91] =	sst lr;
	_ =	strace $0xD0000000  }
0x3: {  	_ = 	snop  }
0x4: {  	_ = 	snop  }
0x5: {  	_ = 	snop  }
0x6: {  	_ = 	snop  }
0x7: {  	_ = 	snop  }
__scs_overlays_trampoline_lowered:
0x8: {  	[smem:$0x3FA0] =	sst s0  }
0x9: {  	[smem:$0x3FA1] =	sst s1  }
0xa: {  	[smem:$0x3FA2] =	sst s2  }
0xb: {  	[smem:$0x3FA3] =	sst s3  }
0xc: {  	[smem:$0x3FA4] =	sst s4  }
0xd: {  	[smem:$0x3FA5] =	sst s5  }
0xe: {  	[smem:$0x3FA6] =	sst s6  }
0xf: {  	[smem:$0x3FA7] =	sst s7  }
0x10: {  	[smem:$0x3FA8] =	sst s8  }
0x11: {  	[smem:$0x3FA9] =	sst s9;
	s0 =	simm.s32 @!p0 $0x0  }
0x12: {  	s1 =	sld [smem:$0x3F8F];
	s0 =	simm.s32 @p0 $0x1  }
0x13: {  	[smem:$0x3FAA] =	sst s0;
	s0 =	simm.s32 @!p1 $0x0  }
0x14: {  	s2 =	sld [smem:$0x3F8E];
	s0 =	simm.s32 @p1 $0x1  }
0x15: {  	[smem:$0x3FAB] =	sst s0;
	s0 =	simm.s32 @!p2 $0x0  }
0x16: {  	s3 =	sld [smem:$0x3FDB];
	s0 =	simm.s32 @p2 $0x1  }
0x17: {  	s4 =	simm.s32 $0x1BF5;
	[smem:$0x3FAD] =	sst s0  }
0x18: {  	s0 =	sld [smem:$0x3F90];
	_ =	swait.ge [sflag:s4], $0x0  }
0x19: {  	s7 =	sld [smem:$0x3F91]  }
0x1a: {  	s8 =	sadd.s32 $0xFFFFE003, lr  }
0x1b: {  	s9 =	sadd.s32 $0xFFFFFEF7, lr;
	s5 =	simm.s32 $0xFFFFFFFF;
	p2 =	slt.u32 s8, $0xFFFFF086  }
0x1c: {  	p1 =	slt.u32 s9, $0xF7A;
	s5 =	simm.s32 @!p2 $0x0  }
0x1d: {  	s5 =	simm.s32 @p1 $0x1;
	p0 =	seq.s32 s7, s2  }
0x1e: {  	s7 =	smul.u32 @!p0 $0xF7A, s2;
	p2 =	seq.s32 @!p0 s5, $0x0  }
0x1f: {  	s9 =	smul.u32 $0xF7A, s1;
	s8 =	simm.s32 @!p0 $0x1BF5;
	p2 =	por !p2, p0  }
0x20: {  	[sflag:s8] =	ssyncset.s32 @!p0 $0xFFFFF086;
	s6 =	sadd.s32 @!p0 s3, s7;
	s7 =	simm.s32 @!p0 $0x108  }
0x21: {  	s3 =	sadd.s32 s3, s9;
	s6 =	sadd.s32 @!p0 $0x88, s6;
	s7 =	simm.s32 @p2 $0x1082  }
0x22: {  	[simem:s7], [sflag:s8] =	dma.local @!p0 [hbm:s6], $0xF7A  }
0x23: {  	s9 =	sor.u32 $0xD0000000, s2;
	s6 =	simm.s32 $0x108;
	_ =	swait.ge @!p0 [sflag:s8], $0x0  }
0x24: {  	s3 =	sadd.s32 $0x88, s3;
	s6 =	simm.s32 @!p1 $0x1082;
	[sflag:s4] =	ssyncset.s32 $0xFFFFF086  }
0x25: {  	[simem:s6], [sflag:s4] =	dma.local [hbm:s3], $0xF7A  }
0x26: {  	[smem:$0x3F91] =	sst s1;
	(tag) =	ssettag s2;
	_ =	strace s9  }
0x27: {  	s1 =	sld [smem:$0x3FA1]  }
0x28: {  	s2 =	sld [smem:$0x3FA2]  }
0x29: {  	s4 =	sld [smem:$0x3FA4]  }
0x2a: {  	p0 =	seq.s32 s5, $0x0;
	s5 =	sld [smem:$0x3FA5]  }
0x2b: {  	s6 =	sld [smem:$0x3FA6]  }
0x2c: {  	s7 =	sld [smem:$0x3FA7]  }
0x2d: {  	s3 =	simm.s32 $0x108;
	s8 =	sld [smem:$0x3FA8]  }
0x2e: {  	s3 =	simm.s32 @!p0 $0x1082;
	s9 =	sld [smem:$0x3FA9]  }
0x2f: {  	lr =	sadd.s32 s0, s3;
	s0 =	sld [smem:$0x3FA0]  }
0x30: {  	s3 =	sld [smem:$0x3FA3]  }
0x31: {  	[smem:$0x3FAC] =	sst s10  }
0x32: {  	s10 =	sld [smem:$0x3FAA];
	_ =	sdelay $0x3  }
0x33: {  	p0 =	seq.s32 s10, $0x1;
	s10 =	sld [smem:$0x3FAC];
	_ =	sdelay $0x3  }
0x34: {  	[smem:$0x3FAC] =	sst s10  }
0x35: {  	s10 =	sld [smem:$0x3FAB];
	_ =	sdelay $0x3  }
0x36: {  	p1 =	seq.s32 s10, $0x1;
	s10 =	sld [smem:$0x3FAC];
	_ =	sdelay $0x3  }
0x37: {  	[smem:$0x3FAC] =	sst s10  }
0x38: {  	s10 =	sld [smem:$0x3FAD]  }
0x39: {  	_ = 	snop;
	(pc) =	sbr.ind lr, $3  }
0x3a: {  	_ = 	snop  }
0x3b: {  	_ = 	snop  }
0x3c: {  	p2 =	seq.s32 s10, $0x1;
	s10 =	sld [smem:$0x3FAC]  }
0x3d: {  	_ =	shalt  }
0x3e: {  	_ =	shalt  }
0x3f: {  	_ =	shalt  }
0x40: {  	_ =	shalt  }
0x41: {  	_ =	shalt  }
0x42: {  	_ =	shalt  }
0x43: {  	_ =	shalt  }
0x44: {  	_ =	shalt  }
0x45: {  	_ =	shalt  }
0x46: {  	_ =	shalt  }
0x47: {  	_ =	shalt  }
0x48: {  	_ =	shalt  }
0x49: {  	_ =	shalt  }
0x4a: {  	_ =	shalt  }
0x4b: {  	_ =	shalt  }
0x4c: {  	_ =	shalt  }
0x4d: {  	_ =	shalt  }
0x4e: {  	_ =	shalt  }
0x4f: {  	_ =	shalt  }
0x50: {  	_ =	shalt  }
0x51: {  	_ =	shalt  }
0x52: {  	_ =	shalt  }
0x53: {  	_ =	shalt  }
0x54: {  	_ =	shalt  }
0x55: {  	_ =	shalt  }
0x56: {  	_ =	shalt  }
0x57: {  	_ =	shalt  }
0x58: {  	_ =	shalt  }
0x59: {  	_ =	shalt  }
0x5a: {  	_ =	shalt  }
0x5b: {  	_ =	shalt  }
0x5c: {  	_ =	shalt  }
0x5d: {  	_ =	shalt  }
0x5e: {  	_ =	shalt  }
0x5f: {  	_ =	shalt  }
0x60: {  	_ =	shalt  }
0x61: {  	_ =	shalt  }
0x62: {  	_ =	shalt  }
0x63: {  	_ =	shalt  }
0x64: {  	_ =	shalt  }
0x65: {  	_ =	shalt  }
0x66: {  	_ =	shalt  }
0x67: {  	_ =	shalt  }
0x68: {  	_ =	shalt  }
0x69: {  	_ =	shalt  }
0x6a: {  	_ =	shalt  }
0x6b: {  	_ =	shalt  }
0x6c: {  	_ =	shalt  }
0x6d: {  	_ =	shalt  }
0x6e: {  	_ =	shalt  }
0x6f: {  	_ =	shalt  }
0x70: {  	_ =	shalt  }
0x71: {  	_ =	shalt  }
0x72: {  	_ =	shalt  }
0x73: {  	_ =	shalt  }
0x74: {  	_ =	shalt  }
0x75: {  	_ =	shalt  }
0x76: {  	_ =	shalt  }
0x77: {  	_ =	shalt  }
0x78: {  	_ =	shalt  }
0x79: {  	_ =	shalt  }
0x7a: {  	_ =	shalt  }
0x7b: {  	_ =	shalt  }
0x7c: {  	_ =	shalt  }
0x7d: {  	_ =	shalt  }
0x7e: {  	_ =	shalt  }
0x7f: {  	_ =	shalt  }
0x80: {  	_ =	shalt  }
0x81: {  	_ =	shalt  }
0x82: {  	_ =	shalt  }
0x83: {  	_ =	shalt  }
0x84: {  	_ =	shalt  }
0x85: {  	_ =	shalt  }
0x86: {  	_ =	shalt  }
0x87: {  	_ =	shalt  }
.Lfunc_end0:
.L_simem_size_0:
called_computation_lowered:
.L_overlay_start_0:
0x88: {  	s2 =	sld [smem:$0x3FD9]  }
0x89: {  	s3 =	sld [smem:$0x3FFE];
	_ =	sdelay $0x1  }
0x8a: {  	s1 =	srdreg.scid  }
0x8b: {  	s0 =	sand.u32 $0x1, s1  }
0x8c: {  	s14 =	sshll.u32 s0, $0xA;
	s2 =	sadd.s32 s3, s2  }
0x8d: {  	s2 =	sadd.s32 s2, s14  }
0x8e: {  	[smem:$0x3FB8] =	sst s2  }
0x8f: {  	_ = 	snop  }
0x90: {  	s2 =	sld [smem:$0x3FD0];
	_ =	sdelay $0x2  }
0x91: {  	s15 =	simm.s32 $0xA;
	s4 =	simm.s32 $0x10  }
0x92: {  	[smem:s4], [sflag:s15] =	dma.local [hbm:s2], $0x1  }
0x93: {  	_ =	swait.eq [sflag:s15], $0x1  }
0x94: {  	[sflag:s15] =	ssyncset.done $0x0  }
0x95: {  	[sflag:s15] =	ssyncadd.s32 $0xFFFFFFFF  }
0x96: {  	s16 =	sld [smem:$0x11];
	(tm) =	ssettm $0x1  }
0x97: {  	s17 =	sld [smem:$0x3FFB];
	_ =	sdelay $0x3  }
0x98: {  	_ =	strace s17  }
0x99: {  	s3 =	sld [smem:$0x3FFC];
	_ =	sdelay $0x3  }
0x9a: {  	_ =	strace s3  }
0x9b: {  	s3 =	sld [smem:$0x3FFD];
	_ =	sdelay $0x3  }
0x9c: {  	_ =	strace s3  }
0x9d: {  	_ =	strace $0x8FFFFFFF  }
0x9e: {  	s18 =	sld [smem:$0x3FDB];
	_ =	sdelay $0x1  }
0x9f: {  	s19 =	simm.s32 $_scs_section_size  }
0xa0: {  	s5 =	simm.s32 $_size__tile_overlayer_lowered;
	s6 =	simm.s32 $_tile_overlayer_lowered  }
0xa1: {  	s22 =	simm.s32 $0x1BFF;
	s21 =	sshll.u32 s6, $0x1;
	s3 =	sadd.s32 s19, s18  }
0xa2: {  	s7 =	simm.s32 $0x0;
	s20 =	sshll.u32 s5, $0x1;
	s5 =	sadd.s32 s21, s3  }
0xa3: {  	[timem:s7], [sflag:s22] =	dma.local [hbm:s5], s20  }
0xa4: {  	_ =	swait.ge [sflag:s22], s20  }
0xa5: {  	s4 =	ssub.s32 $0x0, s20;
	[sflag:s22] =	ssyncset.done $0x0  }
0xa6: {  	[sflag:s22] =	ssyncadd.s32 s4;
	_ =	sdelay $0x1  }
0xa7: {  	s23 =	simm.s32 $0x1B8B  }
0xa8: {  	_ =	swait.ge [sflag:s23], $0x1  }
0xa9: {  	[sflag:s23] =	ssyncset.done $0x0  }
0xaa: {  	s25 =	simm.s32 $0x1B8E;
	s24 =	sld [smem:$0x3FFE];
	[sflag:s23] =	ssyncadd.s32 $0xFFFFFFFF  }
0xab: {  	s26 =	simm.s32 $execute0_lowered;
	[smem:$0x3FD2] =	sst s25  }
0xac: {  	s5 =	sshll.u32 s26, $0x1;
	_ =	strace $0x80000046;
	[dreg:$0x1] =	wrdreg $0xFFFFFFFF  }
0xad: {  	s28 =	simm.s32 $_size_execute0_lowered;
	s3 =	sadd.s32 s3, s5;
	[dreg:$0x0] =	wrdreg $0x0  }
0xae: {  	s5 =	sshll.u32 s28, $0x1;
	[dreg:$0x2] =	wrdreg s3  }
0xaf: {  	[dreg:$0x3] =	wrdreg s5  }
0xb0: {  	[dreg:$0x4] =	wrdreg $0xC0  }
0xb1: {  	_ =	task [dreg:s7], $0x5FFFF  }
0xb2: {  	[dreg:$0x1] =	wrdreg $0xFFFFFFFF  }
0xb3: {  	[dreg:$0x0] =	wrdreg $0x60  }
0xb4: {  	[dreg:$0x2] =	wrdreg s24  }
0xb5: {  	[dreg:$0x3] =	wrdreg s16  }
0xb6: {  	[dreg:$0x4] =	wrdreg $0xB7800  }
0xb7: {  	[dreg:$0x5] =	wrdreg $0x9  }
0xb8: {  	_ =	task.clear_ibuf [dreg:s7], $0x6FFFF;
	_ =	strace $0x90000046  }
0xb9: {  	s29 =	simm.s32 $0x9;
	_ =	strace $0x80000048  }
0xba: {  	_ =	swait.ge [sflag:s29], $0x1  }
0xbb: {  	[sflag:s29] =	ssyncadd.s32 $0xFFFFFFFF  }
0xbc: {  	_ =	strace $0x90000048  }
0xbd: {  	_ =	sfence  }
0xbe: {  	s30 =	sld [smem:$0x0];
	_ =	sdelay $0x2  }
0xbf: {  	s31 =	sshll.u32 s1, $0xD;
	s1 =	sshrl.u32 s1, $0x2  }
0xc0: {  	s3 =	sand.u32 $0x4000, s31;
	s1 =	sadd.s32 s1, s30  }
0xc1: {  	s0 =	sor.u32 s3, s0;
	s1 =	sshll.u32 s1, $0x11  }
0xc2: {  	s0 =	sor.u32 s1, s0  }
0xc3: {  	s0 =	sadd.s32 $0x8F2B, s0  }
0xc4: {  	[sflag:s0] =	ssyncadd.remote.s32 $0x1  }
0xc5: {  	_ =	sfence.sel $0xFFFF  }
0xc6: {  	[dreg:$0x0] =	wrdreg $0xFFFFFFFF;
	(pc) =	sbr.abs _section_cstart, $3  }
0xc7: {  	[dreg:$0x1] =	wrdreg $0xFFFFFFFF  }
0xc8: {  	_ =	task.clear_ibuf [dreg:s7], $0x2FFFF;
	_ =	strace $0x9FFFFFFF  }
0xc9: {  	(tm) =	ssettm $0x7FFFFFFF  }
tec
execute0_lowered:
.L_overlay_start_1:
0x0: {  	(tag) =	ssettag $0x1  }
0x1: {  	s0 =	rddreg [dreg:$0x0]  }
0x2: {  	s1 =	srdreg.scid;
	s5 =	rddreg [dreg:$0x1]  }
0x3: {  	s19 =	stileid.u32;
	s2 =	rddreg [dreg:$0x2];
	s3 =	simm.s32 $0x0  }
0x4: {  	s17 =	simm.s32 $0x5;
	s18 =	simm.s32 $0x2780;
	s21 =	simm.s32 $0x6780  }
0x5: {  	s22 =	simm.s32 $0x3;
	s23 =	simm.s32 $0x50;
	s29 =	simm.s32 $0x4  }
0x6: {  	s31 =	simm.s32 $0x0;
	s1 =	sand.u32 $0x1, s1;
	s6 =	smul.u32 $0x2710, s19  }
0x7: {  	[smem:$0x7FF] =	sst s3;
	s7 =	sshll.u32 s19, $0xB;
	s9 =	smul.u32 $0x4E000, s19  }
0x8: {  	s8 =	sadd.s32 $0x6AC00, s0;
	s13 =	sadd.s32 $0x6B200, s0;
	s12 =	smul.u32 $0x13800, s19  }
0x9: {  	p0 =	sne.s32 s19, $0xF;
	s30 =	sshll.u32 s19, $0x6;
	s4 =	smul.u32 $0x27100, s1  }
0xa: {  	_ =	strace $0x80000047;
	s7 =	sadd.s32 s7, s0;
	[dreg:$0x4] =	wrdreg s8  }
0xb: {  	s24 =	ssub.s32 $0x2, s1;
	s11 =	sshll.u32 s1, $0xF;
	s1 =	smul.u32 $0x138800, s1  }
0xc: {  	s19 =	sor.u32 $0x1C05, s30;
	s10 =	sshrl.u32 s24, $0x1;
	s7 =	sadd.s32 s11, s7  }
0xd: {  	s25 =	sshrl.u32 s9, $0x2;
	s26 =	sshrl.u32 s12, $0x3;
	s11 =	sadd.s32 $0x27000, s5  }
0xe: {  	s4 =	sadd.s32 s6, s4;
	s16 =	ssub.s32 s24, s10;
	s7 =	sadd.s32 $0x2C00, s7  }
0xf: {  	s8 =	sadd.s32 s25, s2;
	s9 =	sadd.s32 s5, s26;
	s10 =	sadd.s32 $0x138000, s2  }
0x10: {  	s12 =	sadd.s32 s12, s1;
	s1 =	sshrl.u32 s1, $0x3;
	s24 =	simm.s32 $0x2  }
0x11: {  	s25 =	simm.s32 $0x8F80;
	s26 =	simm.s32 $0x1;
	s6 =	sshrl.u32 s4, $0x3  }
0x12: {  	s4 =	sadd.s32 $0x1CA00, s0;
	s28 =	sshrl.u32 s12, $0x3;
	s1 =	sadd.s32 $0x27000, s1  }
0x13: {  	s16 =	smax.u32 s16, $0x1;
	s20 =	sshrl.u32 s8, $0x3;
	s6 =	sadd.s32 s6, s0  }
0x14: {  	s0 =	sadd.s32 $0xB9400, s0;
	s12 =	sadd.s32 s13, s28;
	s13 =	sadd.s32 s13, s1  }
0x15: {  	s6 =	sadd.s32 $0x12C00, s6;
	s14 =	sadd.s32 s0, s28;
	s15 =	sadd.s32 s0, s1  }
.LBB2_1:
0x16: {  	[tilespmem:s3], [sflag:$0x5] =	stream.linear.gather [hbm4b:s6+s3], $0x2710, $0x38;
	[tilespmem:$0x1F000] =	vst v63  }
0x17: {  	_ =	swait.ge [sflag:s17], $0x2710  }
0x18: {  	[sflag:s17] =	ssyncset.done $0x0  }
0x19: {  	[sflag:s17] =	ssyncadd.s32 $0xFFFFD8F0  }
0x1a: {  	[tilespmem:s18], [sflag:$0x5] =	stream.linear.gather [hbm4b:s7+s3], $0x3E80, $0x38;
	[tilespmem:$0x1F000] =	vst v63  }
0x1b: {  	_ =	swait.ge [sflag:s17], $0x3E80  }
0x1c: {  	[sflag:s17] =	ssyncset.done $0x0  }
0x1d: {  	[sflag:s17] =	ssyncadd.s32 $0xFFFFC180  }
0x1e: {  	[spmem:s20], [sflag:s19] =	dma.local [hbm:s9], $0x2700  }
0x1f: {  	_ =	swait.ge [sflag:s17], $0x2700  }
0x20: {  	[sflag:s17] =	ssyncset.done $0x0  }
0x21: {  	s1 =	sshrl.u32 @!p0 s10, $0x3;
	s0 =	simm.s32 @!p0 $0x5;
	[sflag:s17] =	ssyncadd.s32 $0xFFFFD900  }
0x22: {  	[spmem:s1], [sflag:s19] =	dma.local @!p0 [hbm:s11], $0x100  }
.Ltmp0:
0x23: {  	_ =	swait.ge @!p0 [sflag:s0], $0x100;
	(pc) =	sbr.rel .LBB2_2-.Ltmp0, $4  }
0x24: {  	[sflag:s0] =	ssyncset.done @!p0 $0x0  }
0x25: {  	s28 =	simm.s32 $0x2780;
	[sflag:s0] =	ssyncadd.s32 @!p0 $0xFFFFFF00  }
0x26: {  	s30 =	simm.s32 $0x0;
	s0 =	simm.s32 $0x50;
	[bflag:$0x0] =	sbarrier.arrive $0xFFFF  }
0x27: {  	[tilespmem:s21], [sflag:$0x1] =	stream.indirect.gather [hbm4b:s4+s23], $0x80, s3, s23, $0xb8;
	[tilespmem:$0x1F000] =	vst v63  }
.LBB2_8:
0x28: {  	_ =	swait.ge [sflag:s22], $0x2800  }
0x29: {  	[sflag:s22] =	ssyncset.done $0x0  }
0x2a: {  	[sflag:s22] =	ssyncadd.s32 $0xFFFFD800  }
0x2b: {  	[tilespmem:s21], [sflag:$0x1] =	stream.indirect.gather [hbm4b:s4+s23], $0x80, s0, s23, $0xb8;
	[tilespmem:$0x1F000] =	vst v63  }
0x2c: {  	_ =	swait.ge [sflag:s24], $0x2800  }
0x2d: {  	[sflag:s24] =	ssyncset.done $0x0  }
0x2e: {  	[sflag:s24] =	ssyncadd.s32 $0xFFFFD800  }
0x2f: {  	[spmem:s2] =	stream.indirect.scatter.add.f32 [tilespmem:s25], [sflag:$0x4], $0x80, s28, s23, $0xb8;
	[tilespmem:$0x1F000] =	vst v63  }
.LBB2_9:
0x30: {  	s30 =	sadd.s32 $0x1, s30  }
0x31: {  	p1 =	sne.s32 s30, $0x7C  }
.Ltmp1:
0x32: {  	_ = 	snop;
	(pc) =	sbr.rel @!p1 .LBB2_10-.Ltmp1, $2  }
0x33: {  	_ =	sdelay $0x2  }
0x34: {  	s28 =	sadd.s32 $0x80, s28;
	s0 =	sadd.s32 $0x50, s0  }
.LBB2_2:
0x35: {  	s5 =	sand.u32 $0x1, s30  }
0x36: {  	p1 =	seq.s32 s5, $0x1  }
.Ltmp2:
0x37: {  	_ = 	snop;
	(pc) =	sbr.rel @p1 .LBB2_8-.Ltmp2, $1  }
0x38: {  	_ =	sdelay $0x3  }
0x39: {  	p1 =	seq.s32 s30, $0x0  }
.Ltmp3:
0x3a: {  	_ = 	snop;
	(pc) =	sbr.rel @p1 .LBB2_6-.Ltmp3, $1  }
0x3b: {  	_ =	sdelay $0x3  }
0x3c: {  	p1 =	seq.s32 s30, $0x7C  }
.Ltmp4:
0x3d: {  	_ = 	snop;
	(pc) =	sbr.rel @p1 .LBB2_7-.Ltmp4, $1  }
0x3e: {  	_ =	sdelay $0x3  }
0x3f: {  	_ =	swait.ge [sflag:s29], $0x2800  }
0x40: {  	[sflag:s29] =	ssyncset.done $0x0  }
0x41: {  	[sflag:s29] =	ssyncadd.s32 $0xFFFFD800  }
.LBB2_6:
0x42: {  	[tilespmem:s25], [sflag:$0x2] =	stream.indirect.gather [hbm4b:s4+s23], $0x80, s0, s23, $0xb8;
	[tilespmem:$0x1F000] =	vst v63  }
.LBB2_7:
0x43: {  	p1 =	seq.s32 s5, $0x0  }
.Ltmp5:
0x44: {  	_ = 	snop;
	(pc) =	sbr.rel @p1 .LBB2_9-.Ltmp5, $4  }
.Ltmp6:
0x45: {  	_ =	swait.ge [sflag:s26], $0x2800;
	(pc) =	sbr.rel @!p1 .LBB2_8-.Ltmp6, $4  }
0x46: {  	[sflag:s26] =	ssyncset.done $0x0  }
0x47: {  	[sflag:s26] =	ssyncadd.s32 $0xFFFFD800  }
0x48: {  	[spmem:s2] =	stream.indirect.scatter.add.f32 [tilespmem:s21], [sflag:$0x3], $0x80, s28, s23, $0xb8;
	[tilespmem:$0x1F000] =	vst v63  }
0x49: {  	_ = 	snop  }
.LBB2_10:
0x4a: {  	_ =	swait.ge [sflag:s26], $0x2800  }
0x4b: {  	[sflag:s26] =	ssyncset.done $0x0  }
0x4c: {  	s0 =	simm.s32 $0x6580;
	[sflag:s26] =	ssyncadd.s32 $0xFFFFD800  }
0x4d: {  	[spmem:s2] =	stream.indirect.scatter.add.f32 [tilespmem:s21], [sflag:$0x3], $0x80, s0, s23, $0xb8;
	[tilespmem:$0x1F000] =	vst v63  }
0x4e: {  	_ =	swait.ge [sflag:s22], $0x2800  }
0x4f: {  	[sflag:s22] =	ssyncset.done $0x0  }
0x50: {  	[sflag:s22] =	ssyncadd.s32 $0xFFFFD800  }
0x51: {  	_ =	swait.ge [sflag:s29], $0x2800  }
0x52: {  	[sflag:s29] =	ssyncset.done $0x0  }
0x53: {  	[sflag:s29] =	ssyncadd.s32 $0xFFFFD800  }
0x54: {  	[bflag:$0x0] =	sbarrier.arrive $0xFFFF  }
0x55: {  	[hbm:s12], [sflag:s19] =	dma.local [spmem:s20], $0x2700  }
0x56: {  	_ =	swait.ge [sflag:s17], $0x2700  }
0x57: {  	[sflag:s17] =	ssyncset.done $0x0  }
0x58: {  	s0 =	sshrl.u32 @p0 s8, $0x3;
	[sflag:s17] =	ssyncadd.s32 $0xFFFFD900  }
0x59: {  	[spmem:s0], [sflag:s19] =	dma.local @p0 [hbm:s9], $0x2700  }
0x5a: {  	s0 =	simm.s32 @p0 $0x5  }
0x5b: {  	_ =	swait.ge @p0 [sflag:s0], $0x2700  }
0x5c: {  	[sflag:s0] =	ssyncset.done @p0 $0x0  }
0x5d: {  	[sflag:s0] =	ssyncadd.s32 @p0 $0xFFFFD900;
	s0 =	simm.s32 @!p0 $0x5  }
0x5e: {  	[hbm:s13], [sflag:s19] =	dma.local @!p0 [spmem:s1], $0x100  }
0x5f: {  	_ =	swait.ge @!p0 [sflag:s0], $0x100  }
0x60: {  	[sflag:s0] =	ssyncset.done @!p0 $0x0  }
0x61: {  	s5 =	sshrl.u32 @!p0 s8, $0x3;
	[sflag:s0] =	ssyncadd.s32 @!p0 $0xFFFFFF00  }
0x62: {  	[spmem:s5], [sflag:s19] =	dma.local @!p0 [hbm:s9], $0x2700  }
0x63: {  	_ =	swait.ge @!p0 [sflag:s0], $0x2700  }
0x64: {  	[sflag:s0] =	ssyncset.done @!p0 $0x0  }
0x65: {  	[sflag:s0] =	ssyncadd.s32 @!p0 $0xFFFFD900  }
0x66: {  	[spmem:s1], [sflag:s19] =	dma.local @!p0 [hbm:s11], $0x100  }
0x67: {  	_ =	swait.ge @!p0 [sflag:s0], $0x100  }
0x68: {  	[sflag:s0] =	ssyncset.done @!p0 $0x0  }
0x69: {  	[sflag:s0] =	ssyncadd.s32 @!p0 $0xFFFFFF00  }
0x6a: {  	[bflag:$0x0] =	sbarrier.arrive $0xFFFF  }
0x6b: {  	s30 =	rddreg [dreg:$0x4]  }
0x6c: {  	[tilespmem:s25], [sflag:$0x5] =	stream.linear.gather [hbm4b:s30+s3], $0x2800, $0x38;
	[tilespmem:$0x1F000] =	vst v63  }
0x6d: {  	_ =	swait.ge [sflag:s17], $0x2800  }
0x6e: {  	[sflag:s17] =	ssyncset.done $0x0  }
0x6f: {  	s30 =	simm.s32 $0x2;
	[sflag:s17] =	ssyncadd.s32 $0xFFFFD800  }
0x70: {  	[spmem:s2] =	stream.indirect.scatter.add.f32 [tilespmem:s25], [sflag:$0x3], $0x80, s18, s23, $0xb8;
	[tilespmem:$0x1F000] =	vst v63  }
0x71: {  	s5 =	simm.s32 $0x2800;
	s0 =	sand.u32 $0x1, s30  }
0x72: {  	[spmem:s2] =	stream.indirect.scatter.add.f32 [tilespmem:s25], [sflag:$0x4], $0x80, s5, s23, $0xb8;
	[tilespmem:$0x1F000] =	vst v63  }
0x73: {  	p1 =	seq.s32 s0, $0x1;
	s5 =	simm.s32 $0x4  }
0x74: {  	s28 =	simm.s32 $0x3;
	s5 =	simm.s32 @!p1 $0x3  }
0x75: {  	s28 =	sand.u32 $0x1, s28;
	_ =	swait.ge [sflag:s5], $0x2800  }
0x76: {  	p1 =	seq.s32 s28, $0x1;
	s28 =	simm.s32 $0x4;
	[sflag:s5] =	ssyncset.done $0x0  }
0x77: {  	s0 =	simm.s32 $0x2880;
	s28 =	simm.s32 @!p1 $0x3;
	[sflag:s5] =	ssyncadd.s32 $0xFFFFD800  }
0x78: {  	[spmem:s2] =	stream.indirect.scatter.add.f32 [tilespmem:s25], [sflag:s5], $0x80, s0, s23, $0xb8;
	[tilespmem:$0x1F000] =	vst v63  }
0x79: {  	s5 =	simm.s32 $0x4;
	_ =	swait.ge [sflag:s28], $0x2800  }
.LBB2_11:
0x7a: {  	s30 =	sand.u32 $0x1, s5  }
0x7b: {  	p1 =	seq.s32 s30, $0x1;
	s30 =	simm.s32 $0x4  }
0x7c: {  	s30 =	simm.s32 @!p1 $0x3;
	p1 =	sne.s32 s5, $0x7C  }
.Ltmp7:
0x7d: {  	[sflag:s28] =	ssyncset.done $0x0;
	(pc) =	sbr.rel @p1 .LBB2_11-.Ltmp7, $4  }
0x7e: {  	s0 =	sadd.s32 $0x80, s0;
	[sflag:s28] =	ssyncadd.s32 $0xFFFFD800  }
0x7f: {  	[spmem:s2] =	stream.indirect.scatter.add.f32 [tilespmem:s25], [sflag:s28], $0x80, s0, s23, $0xb8;
	[tilespmem:$0x1F000] =	vst v63  }
0x80: {  	s28 =	smov.u32 s30;
	_ =	swait.ge [sflag:s30], $0x2800  }
0x81: {  	s5 =	sadd.s32 $0x1, s5  }
0x82: {  	[sflag:s28] =	ssyncset.done $0x0  }
0x83: {  	s0 =	sadd.s32 $0x80, s0;
	[sflag:s28] =	ssyncadd.s32 $0xFFFFD800  }
0x84: {  	[spmem:s2] =	stream.indirect.scatter.add.f32 [tilespmem:s25], [sflag:s28], $0x80, s0, s23, $0xb8;
	[tilespmem:$0x1F000] =	vst v63  }
0x85: {  	_ =	swait.ge [sflag:s22], $0x2800  }
0x86: {  	[sflag:s22] =	ssyncset.done $0x0  }
0x87: {  	[sflag:s22] =	ssyncadd.s32 $0xFFFFD800  }
0x88: {  	_ =	swait.ge [sflag:s29], $0x2800  }
0x89: {  	[sflag:s29] =	ssyncset.done $0x0  }
0x8a: {  	[sflag:s29] =	ssyncadd.s32 $0xFFFFD800  }
0x8b: {  	[bflag:$0x0] =	sbarrier.arrive $0xFFFF  }
0x8c: {  	[hbm:s14], [sflag:s19] =	dma.local [spmem:s20], $0x2700  }
0x8d: {  	s31 =	sadd.s32 $0x1, s31;
	_ =	swait.ge [sflag:s17], $0x2700  }
0x8e: {  	p1 =	sne.s32 s31, s16;
	[sflag:s17] =	ssyncset.done $0x0  }
.Ltmp8:
0x8f: {  	s0 =	simm.s32 @!p0 $0x5;
	[sflag:s17] =	ssyncadd.s32 $0xFFFFD900;
	(pc) =	sbr.rel @p1 .LBB2_1-.Ltmp8, $4  }
0x90: {  	[hbm:s15], [sflag:s19] =	dma.local @!p0 [spmem:s1], $0x100  }
0x91: {  	_ =	swait.ge @!p0 [sflag:s0], $0x100  }
0x92: {  	[sflag:s0] =	ssyncset.done @!p0 $0x0  }
0x93: {  	[sflag:s0] =	ssyncadd.s32 @!p0 $0xFFFFFF00  }
0x94: {  	_ =	sfence.sel $0x180000  }
0x95: {  	[bflag:$0x0] =	sbarrier.arrive $0xFFFF  }
0x96: {  	_ =	strace $0x90000047  }
0x97: {  	s0 =	stileid.u32;
	[bflag:$0x2] =	sbarrier.arrive $0xFFFF  }
0x98: {  	p0 =	sne.s32 s0, $0x0;
	s0 =	rddreg [dreg:$0x3]  }
0x99: {  	s0 =	sadd.s32 @!p0 $0x100000, s0  }
0x9a: {  	[sflag:s0] =	ssyncadd.tile.s32 @!p0 $0x1;
	_ =	shalt  }
.Lfunc_end2:
_tile_overlayer_lowered:
.L_overlay_start_2:
0x9b: {  	(tag) =	ssettag $0x2  }
0x9c: {  	s0 =	rddreg [dreg:$0x0];
	s2 =	stileid.u32  }
0x9d: {  	s1 =	rddreg [dreg:$0x1];
	p0 =	sne.s32 s2, $0x0  }
0x9e: {  	s3 =	rddreg [dreg:$0x2];
	[bflag:$0x3] =	sbarrier.arrive $0xFFFF;
	s2 =	simm.s32 @!p0 $0x1C05  }
0x9f: {  	[timem:s3], [sflag:s2] =	dma.local @!p0 [hbm:s0], s1  }
0xa0: {  	s0 =	simm.s32 @!p0 $0x5  }
0xa1: {  	_ =	swait.ge @!p0 [sflag:s0], s1  }
0xa2: {  	s1 =	ssub.s32 @!p0 $0x0, s1;
	[sflag:s0] =	ssyncset.done @!p0 $0x0  }
0xa3: {  	[sflag:s0] =	ssyncadd.s32 @!p0 s1  }
0xa4: {  	[bflag:$0x3] =	sbarrier.arrive $0xFFFF  }
0xa5: {  	_ =	shalt  }

</sc_bundles>
